<compile_context>
chip_gen: v7x
topology: tpu7x:2x2x1
jax: 0.10.2.dev20260603
libtpu: 0.0.44.dev20260713+nightly
codegen_flags: <defaults>
</compile_context>

<pallas_src>
import functools

import jax
import jax.numpy as jnp
from jax import lax
from jax.experimental import pallas as pl
from jax.experimental.pallas import tpu as pltpu
from jax.experimental.pallas import tpu_sc as plsc

_F32 = jnp.float32
_BR = 512


def _sc_gather_rows2(t1, t2, idx):
    B = idx.shape[0]
    D1, D2 = t1.shape[1], t2.shape[1]
    info = plsc.get_sparse_core_info()
    NC, NS = info.num_cores, info.num_subcores
    NW = NC * NS
    b_per_w = B // NW
    mesh = plsc.VectorSubcoreMesh(core_axis_name="c", subcore_axis_name="s")

    @functools.partial(
        pl.kernel, mesh=mesh,
        out_type=[jax.ShapeDtypeStruct((B, D1), t1.dtype),
                  jax.ShapeDtypeStruct((B, D2), t2.dtype)],
        scratch_types=[
            pltpu.VMEM((b_per_w,), jnp.int32),
            pltpu.VMEM((b_per_w, D1), t1.dtype),
            pltpu.VMEM((b_per_w, D2), t2.dtype),
            pltpu.SemaphoreType.DMA,
            pltpu.SemaphoreType.DMA,
        ],
    )
    def k(t1_hbm, t2_hbm, idx_hbm, o1_hbm, o2_hbm,
          idx_v, r1_v, r2_v, sem1, sem2):
        wid = lax.axis_index("s") * NC + lax.axis_index("c")
        base = wid * b_per_w
        pltpu.sync_copy(idx_hbm.at[pl.ds(base, b_per_w)], idx_v)
        c1 = pltpu.async_copy(t1_hbm.at[idx_v], r1_v, sem1)
        c2 = pltpu.async_copy(t2_hbm.at[idx_v], r2_v, sem2)
        c1.wait()
        c2.wait()
        pltpu.sync_copy(r1_v, o1_hbm.at[pl.ds(base, b_per_w)])
        pltpu.sync_copy(r2_v, o2_hbm.at[pl.ds(base, b_per_w)])

    return k(t1, t2, idx)


def _proj(x, ws, a1, a2, block_rows=_BR):
    N, di = x.shape
    K = len(ws)

    def body(*refs):
        it = iter(refs)
        x_ref = next(it)
        w_refs = [next(it) for _ in range(K)]
        a1_ref, a2_ref = next(it), next(it)
        o_refs = [next(it) for _ in range(K)]
        s1_ref, s2_ref = next(it), next(it)
        xb = x_ref[...]
        for k, (w_ref, o_ref) in enumerate(zip(w_refs, o_refs)):
            hf = jnp.dot(xb, w_ref[...], preferred_element_type=_F32)
            o_ref[...] = hf
            if k == 0:
                s1_ref[...] = lax.dot_general(
                    hf, a1_ref[...], (((1,), (1,)), ((), ())),
                    preferred_element_type=_F32)
                s2_ref[...] = lax.dot_general(
                    a2_ref[...], hf, (((1,), (1,)), ((), ())),
                    preferred_element_type=_F32)

    in_specs = [pl.BlockSpec((block_rows, di), lambda i: (i, 0))]
    in_specs += [pl.BlockSpec(w.shape, lambda i: (0, 0)) for w in ws]
    in_specs += [pl.BlockSpec(a1.shape, lambda i: (0, 0)),
                 pl.BlockSpec(a2.shape, lambda i: (0, 0))]
    out_specs = [pl.BlockSpec((block_rows, w.shape[1]), lambda i: (i, 0))
                 for w in ws]
    out_specs += [pl.BlockSpec((block_rows, 1), lambda i: (i, 0)),
                  pl.BlockSpec((1, block_rows), lambda i: (0, i))]
    out_shape = [jax.ShapeDtypeStruct((N, w.shape[1]), _F32) for w in ws]
    out_shape += [jax.ShapeDtypeStruct((N, 1), _F32),
                  jax.ShapeDtypeStruct((1, N), _F32)]
    return list(pl.pallas_call(
        body,
        grid=(N // block_rows,),
        in_specs=in_specs,
        out_specs=out_specs,
        out_shape=out_shape,
    )(x, *ws, a1, a2))


def _attn(L, ha, s1a, s2a, off, bd, pda, doff, bu, pua, uoff,
          wnext, a1n=None, a2n=None, bg=None, emit_out=True, block_rows=_BR):
    N = L.shape[0]
    do = ha.shape[1]
    K = len(wnext)
    has_d = bd is not None
    has_u = bu is not None
    with_scores = a1n is not None
    with_bg = bg is not None

    def body(*refs):
        it = iter(refs)
        L_ref, h_ref, s1_ref, s2_ref = next(it), next(it), next(it), next(it)
        bd_ref = next(it) if has_d else None
        pd_ref = next(it) if has_d else None
        bu_ref = next(it) if has_u else None
        pu_ref = next(it) if has_u else None
        w_refs = [next(it) for _ in range(K)]
        if with_scores:
            a1_ref, a2_ref = next(it), next(it)
        bg_ref = next(it) if with_bg else None
        o_refs = [next(it) for _ in range(K)] if emit_out else []
        if with_scores:
            s1o_ref, s2o_ref = next(it), next(it)
        bgo_ref = next(it) if with_bg else None

        e = s1_ref[...] + s2_ref[...]
        e = jnp.where(e >= 0, e, 0.2 * e)
        e = jnp.where(L_ref[...] != 0, e, -1e9)
        m = jnp.max(e, axis=1, keepdims=True)
        w = jnp.exp(e - m)
        den = jnp.sum(w, axis=1, keepdims=True)
        acc = jnp.dot(w, h_ref[...], preferred_element_type=_F32) / den
        if has_d:
            acc += lax.dot_general(bd_ref[...], pd_ref[...],
                                   (((0,), (0,)), ((), ())),
                                   preferred_element_type=_F32)
        if has_u:
            acc += jnp.dot(bu_ref[...], pu_ref[...],
                           preferred_element_type=_F32)
        r = jnp.maximum(acc, 0.0)
        for k, w_ref in enumerate(w_refs):
            hf = jnp.dot(r, w_ref[...], preferred_element_type=_F32)
            if emit_out:
                o_refs[k][...] = hf
            if with_scores and k == 0:
                s1o_ref[...] = lax.dot_general(
                    hf, a1_ref[...], (((1,), (1,)), ((), ())),
                    preferred_element_type=_F32)
                s2o_ref[...] = lax.dot_general(
                    a2_ref[...], hf, (((1,), (1,)), ((), ())),
                    preferred_element_type=_F32)
            if with_bg and k == 0:
                part = jnp.dot(bg_ref[...], hf, preferred_element_type=_F32)
                i = pl.program_id(0)
                bgo_ref[...] = jnp.where(i == 0, part, bgo_ref[...] + part)

    hb = off // N
    sb = off // block_rows
    in_specs = [
        pl.BlockSpec((block_rows, N), lambda i: (i, 0)),
        pl.BlockSpec((N, do), lambda i, b=hb: (b, 0)),
        pl.BlockSpec((block_rows, 1), lambda i, b=sb: (b + i, 0)),
        pl.BlockSpec((1, N), lambda i, b=hb: (0, b)),
    ]
    args = [L, ha, s1a, s2a]
    if has_d:
        npv = bd.shape[0]
        db = doff // npv
        in_specs += [pl.BlockSpec((npv, block_rows), lambda i: (0, i)),
                     pl.BlockSpec((npv, do), lambda i, b=db: (b, 0))]
        args += [bd, pda]
    if has_u:
        nnv = bu.shape[1]
        ub = uoff // nnv
        in_specs += [pl.BlockSpec((block_rows, nnv), lambda i: (i, 0)),
                     pl.BlockSpec((nnv, do), lambda i, b=ub: (b, 0))]
        args += [bu, pua]
    in_specs += [pl.BlockSpec(wk.shape, lambda i: (0, 0)) for wk in wnext]
    args += list(wnext)
    if with_scores:
        in_specs += [pl.BlockSpec(a1n.shape, lambda i: (0, 0)),
                     pl.BlockSpec(a2n.shape, lambda i: (0, 0))]
        args += [a1n, a2n]
    if with_bg:
        in_specs += [pl.BlockSpec((bg.shape[0], block_rows),
                                  lambda i: (0, i))]
        args += [bg]
    out_specs, out_shape = [], []
    if emit_out:
        out_specs += [pl.BlockSpec((block_rows, wk.shape[1]),
                                   lambda i: (i, 0)) for wk in wnext]
        out_shape += [jax.ShapeDtypeStruct((N, wk.shape[1]), _F32)
                      for wk in wnext]
    if with_scores:
        out_specs += [pl.BlockSpec((block_rows, 1), lambda i: (i, 0)),
                      pl.BlockSpec((1, block_rows), lambda i: (0, i))]
        out_shape += [jax.ShapeDtypeStruct((N, 1), _F32),
                      jax.ShapeDtypeStruct((1, N), _F32)]
    if with_bg:
        out_specs += [pl.BlockSpec((bg.shape[0], wnext[0].shape[1]),
                                   lambda i: (0, 0))]
        out_shape += [jax.ShapeDtypeStruct((bg.shape[0], wnext[0].shape[1]),
                                           _F32)]

    return list(pl.pallas_call(
        body,
        grid=(N // block_rows,),
        in_specs=in_specs,
        out_specs=out_specs,
        out_shape=out_shape,
    )(*args))


def _final(Lg, idxc, s1, s2, h0, bgpu, wrel, brel):
    B = Lg.shape[0]
    N, do = h0.shape
    C = wrel.shape[1]

    def body(Lg_ref, idx_ref, s1_ref, s2_ref, h0_ref, bgpu_ref,
             wrel_ref, brel_ref, o_ref):
        cols = lax.broadcasted_iota(jnp.int32, (B, N), 1)
        oh = (cols == idx_ref[...]).astype(_F32)
        s1g = jnp.dot(oh, s1_ref[...], preferred_element_type=_F32)
        e = s1g + s2_ref[...]
        e = jnp.where(e >= 0, e, 0.2 * e)
        e = jnp.where(Lg_ref[...] != 0, e, -1e9)
        m = jnp.max(e, axis=1, keepdims=True)
        w = jnp.exp(e - m)
        den = jnp.sum(w, axis=1, keepdims=True)
        acc = jnp.dot(w, h0_ref[...], preferred_element_type=_F32) / den
        acc += bgpu_ref[...]
        acc = jnp.maximum(acc, 0.0)
        o_ref[...] = (jnp.dot(acc, wrel_ref[...], preferred_element_type=_F32)
                      + brel_ref[...])

    return pl.pallas_call(
        body,
        out_shape=jax.ShapeDtypeStruct((B, C), _F32),
    )(Lg, idxc, s1, s2, h0, bgpu, wrel, brel)


def _split_a(lp):
    a = lp["a"]
    do = a.shape[0] // 2
    return a[:do].reshape(1, do), a[do:].reshape(1, do)


def kernel(emb0, emb1, emb2, emb3, lap0, lap1, lap2, lap3,
           bnd1, bnd2, bnd3, order, idx, rel, params):
    del order
    idx = idx.astype(jnp.int32)

    Lg, Bg = _sc_gather_rows2(lap0, bnd1, idx)

    laps = [lap0, lap1, lap2, lap3]
    bnds = [None, bnd1, bnd2, bnd3]
    l1, l2, l3, l4 = (params["l%d" % i] for i in (1, 2, 3, 4))
    a2p = _split_a(l2)
    a3p = _split_a(l3)
    a4p = _split_a(l4)
    wmap = {"h": "W", "d": "Wd", "u": "Wu"}

    so = (0, 3, 1, 2)
    embs = [emb0, emb1, emb2, emb3]
    offs = {}
    off = 0
    for i in so:
        offs[i] = off
        off += embs[i].shape[0]
    xcat = jnp.concatenate([embs[i] for i in so], axis=0)
    a1, a2 = _split_a(l1)
    ha, hda, hua, s1a, s2a = _proj(xcat, [l1["W"], l1["Wd"], l1["Wu"]], a1, a2)

    kinds = {0: "h d", 1: "h d u", 2: "h u", 3: "u"}
    h2, hd2, hu2, s12, s22 = {}, {}, {}, {}, {}
    for i in (0, 1, 2, 3):
        toks = kinds[i].split()
        ws = [l2[wmap[t]] for t in toks]
        sc = "h" in toks
        outs = _attn(laps[i], ha, s1a, s2a, offs[i],
                     bnds[i] if i > 0 else None, hda,
                     offs[i - 1] if i > 0 else 0,
                     bnds[i + 1] if i < 3 else None, hua,
                     offs[i + 1] if i < 3 else 0,
                     ws, a2p[0] if sc else None, a2p[1] if sc else None)
        dsts = {"h": h2, "d": hd2, "u": hu2}
        for t, o in zip(toks, outs[:len(toks)]):
            dsts[t][i] = o
        if sc:
            s12[i], s22[i] = outs[-2], outs[-1]

    kinds = {0: "h d", 1: "h u", 2: "u"}
    h3, hd3, hu3, s13, s23 = {}, {}, {}, {}, {}
    for i in (0, 1, 2):
        toks = kinds[i].split()
        ws = [l3[wmap[t]] for t in toks]
        sc = "h" in toks
        outs = _attn(laps[i], h2[i], s12[i], s22[i], 0,
                     bnds[i] if i > 0 else None, hd2.get(i - 1), 0,
                     bnds[i + 1], hu2.get(i + 1), 0,
                     ws, a3p[0] if sc else None, a3p[1] if sc else None)
        dsts = {"h": h3, "d": hd3, "u": hu3}
        for t, o in zip(toks, outs[:len(toks)]):
            dsts[t][i] = o
        if sc:
            s13[i], s23[i] = outs[-2], outs[-1]

    h40, s14, s24 = _attn(laps[0], h3[0], s13[0], s23[0], 0,
                          None, None, 0, bnds[1], hu3[1], 0,
                          [l4["W"]], a4p[0], a4p[1])
    (bgpu,) = _attn(laps[1], h3[1], s13[1], s23[1], 0,
                    bnds[1], hd3[0], 0, bnds[2], hu3[2], 0,
                    [l4["Wu"]], bg=Bg, emit_out=False)

    rows = _final(Lg, idx.reshape(-1, 1), s14, s24, h40, bgpu,
                  params["W_rel"], params["b_rel"].reshape(1, -1))

    nz = jnp.stack(jnp.nonzero(rel, size=rel.shape[0]), axis=1)
    return rows[nz]

# --- scband reference (transcript-rebuilt; emitter-appended) ---
"""Pipeline reference for scband-simplicial-attention-model-32074815767390 (READ-ONLY COPY).

The authoritative reference and input builder live on the scoring server;
editing this copy changes nothing except your own understanding.
"""

import jax, jax.numpy as jnp
import numpy as np

C = 64
N0, N1, N2, N3 = 1024, 2048, 2048, 1024
NQ = 256


def init_params(key, c):
    dims = [(c, 2 * c), (2 * c, 4 * c), (4 * c, 8 * c), (8 * c, 16 * c)]
    p = {}
    for i, (di, do) in enumerate(dims):
        key, k1, k2, k3, k4 = jax.random.split(key, 5)
        p["l%d" % (i + 1)] = {
            "W": jax.random.normal(k1, (di, do), jnp.float32) / np.sqrt(di),
            "Wd": jax.random.normal(k2, (di, do), jnp.float32) / np.sqrt(di),
            "Wu": jax.random.normal(k3, (di, do), jnp.float32) / np.sqrt(di),
            "a": jax.random.normal(k4, (2 * do,), jnp.float32) * 0.1,
        }
    key, k1 = jax.random.split(key)
    p["W_rel"] = jax.random.normal(k1, (16 * c, c), jnp.float32) / np.sqrt(16 * c)
    p["b_rel"] = jnp.zeros((c,), jnp.float32)
    return p


def _layer(L, x, Bd, xd, Bu, xu, p):
    # GAT-style simplicial attention layer: attention over Laplacian support
    # plus lower/upper boundary message passing.
    h = x @ p["W"]
    do = h.shape[1]
    a1 = p["a"][:do]
    a2 = p["a"][do:]
    e = jax.nn.leaky_relu(h @ a1[:, None] + (h @ a2[:, None]).T, 0.2)
    mask = L != 0
    e = jnp.where(mask, e, -1e9)
    A = jax.nn.softmax(e, axis=1)
    out = A @ h
    if Bd is not None:
        out = out + Bd.T @ (xd @ p["Wd"])
    if Bu is not None:
        out = out + Bu @ (xu @ p["Wu"])
    return jax.nn.relu(out), A


def _attn_block(lp, embs, laps, bnds, dim=4):
    outs, Aw = [], []
    for i in range(dim):
        if laps[i] is None:
            outs.append(None)
            Aw.append(None)
        elif i == 0:
            em, A = _layer(laps[0], embs[0], None, None, bnds[1], embs[1], lp)
            outs.append(em)
            Aw.append(A)
        elif i == dim - 1:
            em, A = _layer(laps[dim - 1], embs[dim - 1], bnds[dim - 1], embs[dim - 2], None, None, lp)
            outs.append(em)
            Aw.append(A)
        else:
            em, A = _layer(laps[i], embs[i], bnds[i], embs[i - 1], bnds[i + 1], embs[i + 1], lp)
            outs.append(em)
            Aw.append(A)
    return outs, Aw


def _forward(embs, laps, bnds, order, idx, rel, params):
    e1, _ = _attn_block(params["l1"], embs, laps, bnds)
    e2, _ = _attn_block(params["l2"], e1, laps, bnds)
    e3, _ = _attn_block(params["l3"], e2, laps, bnds)
    e4, _ = _attn_block(params["l4"], e3, laps, bnds)
    out = e4[0][idx + order * 0] @ params["W_rel"] + params["b_rel"]
    out = jnp.squeeze(out)
    nz = jnp.stack(jnp.nonzero(rel, size=rel.shape[0]), axis=1)
    return out[nz]


def setup_inputs(seed: int = 0):
    key = jax.random.key(seed)
    ks = jax.random.split(key, 16)
    d = {}
    d["emb0"] = jax.random.normal(ks[0], (N0, C), jnp.float32)
    d["emb1"] = jax.random.normal(ks[1], (N1, C), jnp.float32)
    d["emb2"] = jax.random.normal(ks[2], (N2, C), jnp.float32)
    d["emb3"] = jax.random.normal(ks[3], (N3, C), jnp.float32)
    d["lap0"] = jax.random.normal(ks[4], (N0, N0), jnp.float32)
    d["lap1"] = jax.random.normal(ks[5], (N1, N1), jnp.float32)
    d["lap2"] = jax.random.normal(ks[6], (N2, N2), jnp.float32)
    d["lap3"] = jax.random.normal(ks[7], (N3, N3), jnp.float32)
    d["bnd1"] = jax.random.normal(ks[8], (N0, N1), jnp.float32)
    d["bnd2"] = jax.random.normal(ks[9], (N1, N2), jnp.float32)
    d["bnd3"] = jax.random.normal(ks[10], (N2, N3), jnp.float32)
    d["order"] = 0
    d["idx"] = jax.random.randint(ks[11], (NQ,), 0, N0)
    d["rel"] = jnp.ones((NQ,), jnp.int32)
    d["params"] = init_params(ks[12], C)
    return d


def reference(emb0, emb1, emb2, emb3, lap0, lap1, lap2, lap3, bnd1, bnd2, bnd3, order, idx, rel, params):
    embs = [emb0, emb1, emb2, emb3]
    laps = [lap0, lap1, lap2, lap3]
    bnds = [None, bnd1, bnd2, bnd3]
    return _forward(embs, laps, bnds, order, idx, rel, params)

if __name__ == "__main__":
    import jax
    _d = setup_inputs()
    print(jax.jit(kernel)(*tuple(_d.values())))

</pallas_src>

<mosaic_0001>
#map = affine_map<(d0, d1) -> (0, 0)>
#map1 = affine_map<(d0, d1) -> (0)>
module attributes {stable_mosaic.version = 14 : i64} {
  func.func @k(%arg0: i32, %arg1: i32, %arg2: memref<1024x1024xf32, #tpu.memory_space<hbm>>, %arg3: memref<1024x2048xf32, #tpu.memory_space<hbm>>, %arg4: memref<256xi32, #tpu.memory_space<hbm>>, %arg5: memref<256x1024xf32, #tpu.memory_space<hbm>>, %arg6: memref<256x2048xf32, #tpu.memory_space<hbm>>, %arg7: memref<8xi32, #tpu.memory_space<vmem>>, %arg8: memref<8x1024xf32, #tpu.memory_space<vmem>>, %arg9: memref<8x2048xf32, #tpu.memory_space<vmem>>, %arg10: memref<!tpu.dma_semaphore, #tpu.memory_space<semaphore_mem>>, %arg11: memref<!tpu.dma_semaphore, #tpu.memory_space<semaphore_mem>>) attributes {dimension_semantics = [#tpu.dimension_semantics<core_parallel>, #tpu.dimension_semantics<subcore_parallel>], iteration_bounds = array<i64: 2, 16>, scalar_prefetch = 0 : i64, scratch_operands = 5 : i64, tpu.core_type = #tpu.core_type<sc_vector_subcore>, window_params = [{transform_indices = #map}, {transform_indices = #map}, {transform_indices = #map1}, {transform_indices = #map}, {transform_indices = #map}]} {
    %mul3A = arith.constant 2 : i32
    %mul3A_0 = arith.muli %arg1, %mul3A : i32
    %add3A = arith.addi %mul3A_0, %arg0 : i32
    %mul3A_1 = arith.constant 8 : i32
    %mul3A_2 = arith.muli %add3A, %mul3A_1 : i32
    "tpu.region"() ({
      %run_scoped3A = tpu.sem_alloc : memref<!tpu.dma_semaphore, #tpu.memory_space<semaphore_mem>>
      %dma_start3A_13 = tpu.memref_slice %arg4[%mul3A_2] : memref<256xi32, #tpu.memory_space<hbm>> -> memref<8xi32, #tpu.memory_space<hbm>>
      %dma_start3A_14 = tpu.memref_slice %arg4[%mul3A_2] : memref<256xi32, #tpu.memory_space<hbm>> -> memref<8xi32, #tpu.memory_space<hbm>>
      tpu.enqueue_dma source(%dma_start3A_14 : memref<8xi32, #tpu.memory_space<hbm>>) target(%arg7 : memref<8xi32, #tpu.memory_space<vmem>>) target_semaphore(%run_scoped3A : memref<!tpu.dma_semaphore, #tpu.memory_space<semaphore_mem>>)
      %dma_wait3A_15 = tpu.memref_slice %arg4[%mul3A_2] : memref<256xi32, #tpu.memory_space<hbm>> -> memref<8xi32, #tpu.memory_space<hbm>>
      %dma_wait3A_16 = tpu.memref_slice %arg4[%mul3A_2] : memref<256xi32, #tpu.memory_space<hbm>> -> memref<8xi32, #tpu.memory_space<hbm>>
      tpu.wait_dma2 semaphore(%run_scoped3A : memref<!tpu.dma_semaphore, #tpu.memory_space<semaphore_mem>>) src(%dma_wait3A_16 : memref<8xi32, #tpu.memory_space<hbm>>) dst(%arg7 : memref<8xi32, #tpu.memory_space<vmem>>)
      tpu.yield
    }) : () -> ()
    %dma_start3A = arith.constant 0 : i32
    %dma_start3A_3 = arith.constant 0 : i32
    %dma_start3A_4 = tpu.memref_slice %arg2[%dma_start3A, %dma_start3A_3] : memref<1024x1024xf32, #tpu.memory_space<hbm>> -> memref<1024x1024xf32, #tpu.memory_space<hbm>>
    tpu.enqueue_indirect_dma source(%dma_start3A_4 : memref<1024x1024xf32, #tpu.memory_space<hbm>>) target(%arg8 : memref<8x1024xf32, #tpu.memory_space<vmem>>) offsets(%arg7 : memref<8xi32, #tpu.memory_space<vmem>>) semaphore(%arg10 : memref<!tpu.dma_semaphore, #tpu.memory_space<semaphore_mem>>)
    %dma_start3A_5 = arith.constant 0 : i32
    %dma_start3A_6 = arith.constant 0 : i32
    %dma_start3A_7 = tpu.memref_slice %arg3[%dma_start3A_5, %dma_start3A_6] : memref<1024x2048xf32, #tpu.memory_space<hbm>> -> memref<1024x2048xf32, #tpu.memory_space<hbm>>
    tpu.enqueue_indirect_dma source(%dma_start3A_7 : memref<1024x2048xf32, #tpu.memory_space<hbm>>) target(%arg9 : memref<8x2048xf32, #tpu.memory_space<vmem>>) offsets(%arg7 : memref<8xi32, #tpu.memory_space<vmem>>) semaphore(%arg11 : memref<!tpu.dma_semaphore, #tpu.memory_space<semaphore_mem>>)
    %dma_wait3A = arith.constant 0 : i32
    %dma_wait3A_8 = arith.constant 0 : i32
    %dma_wait3A_9 = tpu.memref_slice %arg2[%dma_wait3A, %dma_wait3A_8] : memref<1024x1024xf32, #tpu.memory_space<hbm>> -> memref<1024x1024xf32, #tpu.memory_space<hbm>>
    tpu.wait_indirect_dma semaphore(%arg10 : memref<!tpu.dma_semaphore, #tpu.memory_space<semaphore_mem>>) src(%dma_wait3A_9 : memref<1024x1024xf32, #tpu.memory_space<hbm>>) dst(%arg8 : memref<8x1024xf32, #tpu.memory_space<vmem>>)
    %dma_wait3A_10 = arith.constant 0 : i32
    %dma_wait3A_11 = arith.constant 0 : i32
    %dma_wait3A_12 = tpu.memref_slice %arg3[%dma_wait3A_10, %dma_wait3A_11] : memref<1024x2048xf32, #tpu.memory_space<hbm>> -> memref<1024x2048xf32, #tpu.memory_space<hbm>>
    tpu.wait_indirect_dma semaphore(%arg11 : memref<!tpu.dma_semaphore, #tpu.memory_space<semaphore_mem>>) src(%dma_wait3A_12 : memref<1024x2048xf32, #tpu.memory_space<hbm>>) dst(%arg9 : memref<8x2048xf32, #tpu.memory_space<vmem>>)
    "tpu.region"() ({
      %run_scoped3A = tpu.sem_alloc : memref<!tpu.dma_semaphore, #tpu.memory_space<semaphore_mem>>
      %dma_start3A_13 = arith.constant 0 : i32
      %dma_start3A_14 = tpu.memref_slice %arg5[%mul3A_2, %dma_start3A_13] : memref<256x1024xf32, #tpu.memory_space<hbm>> -> memref<8x1024xf32, #tpu.memory_space<hbm>>
      %dma_start3A_15 = arith.constant 0 : i32
      %dma_start3A_16 = tpu.memref_slice %arg5[%mul3A_2, %dma_start3A_15] : memref<256x1024xf32, #tpu.memory_space<hbm>> -> memref<8x1024xf32, #tpu.memory_space<hbm>>
      tpu.enqueue_dma source(%arg8 : memref<8x1024xf32, #tpu.memory_space<vmem>>) target(%dma_start3A_16 : memref<8x1024xf32, #tpu.memory_space<hbm>>) target_semaphore(%run_scoped3A : memref<!tpu.dma_semaphore, #tpu.memory_space<semaphore_mem>>)
      %dma_wait3A_17 = arith.constant 0 : i32
      %dma_wait3A_18 = tpu.memref_slice %arg5[%mul3A_2, %dma_wait3A_17] : memref<256x1024xf32, #tpu.memory_space<hbm>> -> memref<8x1024xf32, #tpu.memory_space<hbm>>
      %dma_wait3A_19 = arith.constant 0 : i32
      %dma_wait3A_20 = tpu.memref_slice %arg5[%mul3A_2, %dma_wait3A_19] : memref<256x1024xf32, #tpu.memory_space<hbm>> -> memref<8x1024xf32, #tpu.memory_space<hbm>>
      tpu.wait_dma2 semaphore(%run_scoped3A : memref<!tpu.dma_semaphore, #tpu.memory_space<semaphore_mem>>) src(%arg8 : memref<8x1024xf32, #tpu.memory_space<vmem>>) dst(%dma_wait3A_20 : memref<8x1024xf32, #tpu.memory_space<hbm>>)
      tpu.yield
    }) : () -> ()
    "tpu.region"() ({
      %run_scoped3A = tpu.sem_alloc : memref<!tpu.dma_semaphore, #tpu.memory_space<semaphore_mem>>
      %dma_start3A_13 = arith.constant 0 : i32
      %dma_start3A_14 = tpu.memref_slice %arg6[%mul3A_2, %dma_start3A_13] : memref<256x2048xf32, #tpu.memory_space<hbm>> -> memref<8x2048xf32, #tpu.memory_space<hbm>>
      %dma_start3A_15 = arith.constant 0 : i32
      %dma_start3A_16 = tpu.memref_slice %arg6[%mul3A_2, %dma_start3A_15] : memref<256x2048xf32, #tpu.memory_space<hbm>> -> memref<8x2048xf32, #tpu.memory_space<hbm>>
      tpu.enqueue_dma source(%arg9 : memref<8x2048xf32, #tpu.memory_space<vmem>>) target(%dma_start3A_16 : memref<8x2048xf32, #tpu.memory_space<hbm>>) target_semaphore(%run_scoped3A : memref<!tpu.dma_semaphore, #tpu.memory_space<semaphore_mem>>)
      %dma_wait3A_17 = arith.constant 0 : i32
      %dma_wait3A_18 = tpu.memref_slice %arg6[%mul3A_2, %dma_wait3A_17] : memref<256x2048xf32, #tpu.memory_space<hbm>> -> memref<8x2048xf32, #tpu.memory_space<hbm>>
      %dma_wait3A_19 = arith.constant 0 : i32
      %dma_wait3A_20 = tpu.memref_slice %arg6[%mul3A_2, %dma_wait3A_19] : memref<256x2048xf32, #tpu.memory_space<hbm>> -> memref<8x2048xf32, #tpu.memory_space<hbm>>
      tpu.wait_dma2 semaphore(%run_scoped3A : memref<!tpu.dma_semaphore, #tpu.memory_space<semaphore_mem>>) src(%arg9 : memref<8x2048xf32, #tpu.memory_space<vmem>>) dst(%dma_wait3A_20 : memref<8x2048xf32, #tpu.memory_space<hbm>>)
      tpu.yield
    }) : () -> ()
    return
  }
}

module attributes {stable_mosaic.version = 14 : i64} {
  func.func @body(%arg0: i32, %arg1: memref<512x64xf32, #tpu.memory_space<vmem>>, %arg2: memref<64x128xf32, #tpu.memory_space<vmem>>, %arg3: memref<64x128xf32, #tpu.memory_space<vmem>>, %arg4: memref<64x128xf32, #tpu.memory_space<vmem>>, %arg5: memref<1x128xf32, #tpu.memory_space<vmem>>, %arg6: memref<1x128xf32, #tpu.memory_space<vmem>>, %arg7: memref<512x128xf32, #tpu.memory_space<vmem>>, %arg8: memref<512x128xf32, #tpu.memory_space<vmem>>, %arg9: memref<512x128xf32, #tpu.memory_space<vmem>>, %arg10: memref<512x1xf32, #tpu.memory_space<vmem>>, %arg11: memref<1x512xf32, #tpu.memory_space<vmem>>) attributes {dimension_semantics = [#tpu.dimension_semantics<arbitrary>], iteration_bounds = array<i64: 12>, scalar_prefetch = 0 : i64, scratch_operands = 0 : i64, tpu.core_type = #tpu.core_type<tc>, window_params = [{transform_indices = @transform_0, window_bounds = array<i64: 512, 64>}, {pipeline_mode = #tpu.pipeline_mode<synchronous>, transform_indices = @transform_1, window_bounds = array<i64: 64, 128>}, {pipeline_mode = #tpu.pipeline_mode<synchronous>, transform_indices = @transform_2, window_bounds = array<i64: 64, 128>}, {pipeline_mode = #tpu.pipeline_mode<synchronous>, transform_indices = @transform_3, window_bounds = array<i64: 64, 128>}, {pipeline_mode = #tpu.pipeline_mode<synchronous>, transform_indices = @transform_4, window_bounds = array<i64: 1, 128>}, {pipeline_mode = #tpu.pipeline_mode<synchronous>, transform_indices = @transform_5, window_bounds = array<i64: 1, 128>}, {transform_indices = @transform_6, window_bounds = array<i64: 512, 128>}, {transform_indices = @transform_7, window_bounds = array<i64: 512, 128>}, {transform_indices = @transform_8, window_bounds = array<i64: 512, 128>}, {transform_indices = @transform_9, window_bounds = array<i64: 512, 1>}, {transform_indices = @transform_10, window_bounds = array<i64: 1, 512>}]} {
    %get3A = arith.constant 0 : index
    %get3A_0 = arith.constant 0 : index
    %get3A_1 = vector.load %arg1[%get3A, %get3A_0] : memref<512x64xf32, #tpu.memory_space<vmem>>, vector<512x64xf32>
    %get3A_2 = arith.constant 0 : index
    %get3A_3 = arith.constant 0 : index
    %get3A_4 = vector.load %arg2[%get3A_2, %get3A_3] : memref<64x128xf32, #tpu.memory_space<vmem>>, vector<64x128xf32>
    %dot_general3A = arith.constant dense<0.000000e+00> : vector<512x128xf32>
    %dot_general3A_5 = tpu.matmul %get3A_1, %get3A_4, %dot_general3A {dimension_numbers = #tpu.dot_dimension_numbers<[1], [0], [0], [1], [0, 0, 1, 1], [], []>, transpose_lhs_hint = false} : vector<512x64xf32>, vector<64x128xf32>, vector<512x128xf32> -> vector<512x128xf32>
    %swap3A = arith.constant 0 : index
    %swap3A_6 = arith.constant 0 : index
    %swap3A_7 = vector.load %arg7[%swap3A, %swap3A_6] : memref<512x128xf32, #tpu.memory_space<vmem>>, vector<512x128xf32>
    tpu.vector_store %arg7[%swap3A, %swap3A_6], %dot_general3A_5 {strides = array<i32>} : memref<512x128xf32, #tpu.memory_space<vmem>>, vector<512x128xf32>,
    %get3A_8 = arith.constant 0 : index
    %get3A_9 = arith.constant 0 : index
    %get3A_10 = vector.load %arg5[%get3A_8, %get3A_9] : memref<1x128xf32, #tpu.memory_space<vmem>>, vector<1x128xf32>
    %dot_general3A_11 = arith.constant dense<0.000000e+00> : vector<512x1xf32>
    %dot_general3A_12 = tpu.matmul %dot_general3A_5, %get3A_10, %dot_general3A_11 {dimension_numbers = #tpu.dot_dimension_numbers<[1], [1], [0], [0], [0, 0, 1, 0], [], []>, transpose_lhs_hint = false} : vector<512x128xf32>, vector<1x128xf32>, vector<512x1xf32> -> vector<512x1xf32>
    %swap3A_13 = arith.constant 0 : index
    %swap3A_14 = arith.constant 0 : index
    %swap3A_15 = vector.load %arg10[%swap3A_13, %swap3A_14] : memref<512x1xf32, #tpu.memory_space<vmem>>, vector<512x1xf32>
    tpu.vector_store %arg10[%swap3A_13, %swap3A_14], %dot_general3A_12 {strides = array<i32>} : memref<512x1xf32, #tpu.memory_space<vmem>>, vector<512x1xf32>,
    %get3A_16 = arith.constant 0 : index
    %get3A_17 = arith.constant 0 : index
    %get3A_18 = vector.load %arg6[%get3A_16, %get3A_17] : memref<1x128xf32, #tpu.memory_space<vmem>>, vector<1x128xf32>
    %dot_general3A_19 = arith.constant dense<0.000000e+00> : vector<1x512xf32>
    %dot_general3A_20 = tpu.matmul %get3A_18, %dot_general3A_5, %dot_general3A_19 {dimension_numbers = #tpu.dot_dimension_numbers<[1], [1], [0], [0], [0, 0, 1, 0], [], []>, transpose_lhs_hint = false} : vector<1x128xf32>, vector<512x128xf32>, vector<1x512xf32> -> vector<1x512xf32>
    %swap3A_21 = arith.constant 0 : index
    %swap3A_22 = arith.constant 0 : index
    %swap3A_23 = vector.load %arg11[%swap3A_21, %swap3A_22] : memref<1x512xf32, #tpu.memory_space<vmem>>, vector<1x512xf32>
    tpu.vector_store %arg11[%swap3A_21, %swap3A_22], %dot_general3A_20 {strides = array<i32>} : memref<1x512xf32, #tpu.memory_space<vmem>>, vector<1x512xf32>,
    %get3A_24 = arith.constant 0 : index
    %get3A_25 = arith.constant 0 : index
    %get3A_26 = vector.load %arg3[%get3A_24, %get3A_25] : memref<64x128xf32, #tpu.memory_space<vmem>>, vector<64x128xf32>
    %dot_general3A_27 = arith.constant dense<0.000000e+00> : vector<512x128xf32>
    %dot_general3A_28 = tpu.matmul %get3A_1, %get3A_26, %dot_general3A_27 {dimension_numbers = #tpu.dot_dimension_numbers<[1], [0], [0], [1], [0, 0, 1, 1], [], []>, transpose_lhs_hint = false} : vector<512x64xf32>, vector<64x128xf32>, vector<512x128xf32> -> vector<512x128xf32>
    %swap3A_29 = arith.constant 0 : index
    %swap3A_30 = arith.constant 0 : index
    %swap3A_31 = vector.load %arg8[%swap3A_29, %swap3A_30] : memref<512x128xf32, #tpu.memory_space<vmem>>, vector<512x128xf32>
    tpu.vector_store %arg8[%swap3A_29, %swap3A_30], %dot_general3A_28 {strides = array<i32>} : memref<512x128xf32, #tpu.memory_space<vmem>>, vector<512x128xf32>,
    %get3A_32 = arith.constant 0 : index
    %get3A_33 = arith.constant 0 : index
    %get3A_34 = vector.load %arg4[%get3A_32, %get3A_33] : memref<64x128xf32, #tpu.memory_space<vmem>>, vector<64x128xf32>
    %dot_general3A_35 = arith.constant dense<0.000000e+00> : vector<512x128xf32>
    %dot_general3A_36 = tpu.matmul %get3A_1, %get3A_34, %dot_general3A_35 {dimension_numbers = #tpu.dot_dimension_numbers<[1], [0], [0], [1], [0, 0, 1, 1], [], []>, transpose_lhs_hint = false} : vector<512x64xf32>, vector<64x128xf32>, vector<512x128xf32> -> vector<512x128xf32>
    %swap3A_37 = arith.constant 0 : index
    %swap3A_38 = arith.constant 0 : index
    %swap3A_39 = vector.load %arg9[%swap3A_37, %swap3A_38] : memref<512x128xf32, #tpu.memory_space<vmem>>, vector<512x128xf32>
    tpu.vector_store %arg9[%swap3A_37, %swap3A_38], %dot_general3A_36 {strides = array<i32>} : memref<512x128xf32, #tpu.memory_space<vmem>>, vector<512x128xf32>,
    return
  }
  func.func @transform_0(%arg0: i32) -> (i32, i32) {
    %c0_i32 = arith.constant 0 : i32
    %c0_i32_0 = arith.constant 0 : i32
    return %arg0, %c0_i32 : i32, i32
  }
  func.func @transform_1(%arg0: i32) -> (i32, i32) {
    %c0_i32 = arith.constant 0 : i32
    %c0_i32_0 = arith.constant 0 : i32
    %c0_i32_1 = arith.constant 0 : i32
    return %c0_i32, %c0_i32_0 : i32, i32
  }
  func.func @transform_2(%arg0: i32) -> (i32, i32) {
    %c0_i32 = arith.constant 0 : i32
    %c0_i32_0 = arith.constant 0 : i32
    %c0_i32_1 = arith.constant 0 : i32
    return %c0_i32, %c0_i32_0 : i32, i32
  }
  func.func @transform_3(%arg0: i32) -> (i32, i32) {
    %c0_i32 = arith.constant 0 : i32
    %c0_i32_0 = arith.constant 0 : i32
    %c0_i32_1 = arith.constant 0 : i32
    return %c0_i32, %c0_i32_0 : i32, i32
  }
  func.func @transform_4(%arg0: i32) -> (i32, i32) {
    %c0_i32 = arith.constant 0 : i32
    %c0_i32_0 = arith.constant 0 : i32
    %c0_i32_1 = arith.constant 0 : i32
    return %c0_i32, %c0_i32_0 : i32, i32
  }
  func.func @transform_5(%arg0: i32) -> (i32, i32) {
    %c0_i32 = arith.constant 0 : i32
    %c0_i32_0 = arith.constant 0 : i32
    %c0_i32_1 = arith.constant 0 : i32
    return %c0_i32, %c0_i32_0 : i32, i32
  }
  func.func @transform_6(%arg0: i32) -> (i32, i32) {
    %c0_i32 = arith.constant 0 : i32
    %c0_i32_0 = arith.constant 0 : i32
    return %arg0, %c0_i32 : i32, i32
  }
  func.func @transform_7(%arg0: i32) -> (i32, i32) {
    %c0_i32 = arith.constant 0 : i32
    %c0_i32_0 = arith.constant 0 : i32
    return %arg0, %c0_i32 : i32, i32
  }
  func.func @transform_8(%arg0: i32) -> (i32, i32) {
    %c0_i32 = arith.constant 0 : i32
    %c0_i32_0 = arith.constant 0 : i32
    return %arg0, %c0_i32 : i32, i32
  }
  func.func @transform_9(%arg0: i32) -> (i32, i32) {
    %c0_i32 = arith.constant 0 : i32
    %c0_i32_0 = arith.constant 0 : i32
    return %arg0, %c0_i32 : i32, i32
  }
  func.func @transform_10(%arg0: i32) -> (i32, i32) {
    %c0_i32 = arith.constant 0 : i32
    %c0_i32_0 = arith.constant 0 : i32
    return %c0_i32, %arg0 : i32, i32
  }
}

module attributes {stable_mosaic.version = 14 : i64} {
  func.func @body(%arg0: i32, %arg1: memref<512x1024xf32, #tpu.memory_space<vmem>>, %arg2: memref<1024x128xf32, #tpu.memory_space<vmem>>, %arg3: memref<512x1xf32, #tpu.memory_space<vmem>>, %arg4: memref<1x1024xf32, #tpu.memory_space<vmem>>, %arg5: memref<512x2048xf32, #tpu.memory_space<vmem>>, %arg6: memref<2048x128xf32, #tpu.memory_space<vmem>>, %arg7: memref<128x256xf32, #tpu.memory_space<vmem>>, %arg8: memref<128x256xf32, #tpu.memory_space<vmem>>, %arg9: memref<1x256xf32, #tpu.memory_space<vmem>>, %arg10: memref<1x256xf32, #tpu.memory_space<vmem>>, %arg11: memref<512x256xf32, #tpu.memory_space<vmem>>, %arg12: memref<512x256xf32, #tpu.memory_space<vmem>>, %arg13: memref<512x1xf32, #tpu.memory_space<vmem>>, %arg14: memref<1x512xf32, #tpu.memory_space<vmem>>) attributes {dimension_semantics = [#tpu.dimension_semantics<arbitrary>], iteration_bounds = array<i64: 2>, scalar_prefetch = 0 : i64, scratch_operands = 0 : i64, tpu.core_type = #tpu.core_type<tc>, window_params = [{transform_indices = @transform_0, window_bounds = array<i64: 512, 1024>}, {transform_indices = @transform_1, window_bounds = array<i64: 1024, 128>}, {transform_indices = @transform_2, window_bounds = array<i64: 512, 1>}, {transform_indices = @transform_3, window_bounds = array<i64: 1, 1024>}, {transform_indices = @transform_4, window_bounds = array<i64: 512, 2048>}, {transform_indices = @transform_5, window_bounds = array<i64: 2048, 128>}, {pipeline_mode = #tpu.pipeline_mode<synchronous>, transform_indices = @transform_6, window_bounds = array<i64: 128, 256>}, {pipeline_mode = #tpu.pipeline_mode<synchronous>, transform_indices = @transform_7, window_bounds = array<i64: 128, 256>}, {pipeline_mode = #tpu.pipeline_mode<synchronous>, transform_indices = @transform_8, window_bounds = array<i64: 1, 256>}, {pipeline_mode = #tpu.pipeline_mode<synchronous>, transform_indices = @transform_9, window_bounds = array<i64: 1, 256>}, {transform_indices = @transform_10, window_bounds = array<i64: 512, 256>}, {transform_indices = @transform_11, window_bounds = array<i64: 512, 256>}, {transform_indices = @transform_12, window_bounds = array<i64: 512, 1>}, {transform_indices = @transform_13, window_bounds = array<i64: 1, 512>}]} {
    %get3A = arith.constant 0 : index
    %get3A_0 = arith.constant 0 : index
    %get3A_1 = vector.load %arg3[%get3A, %get3A_0] : memref<512x1xf32, #tpu.memory_space<vmem>>, vector<512x1xf32>
    %get3A_2 = arith.constant 0 : index
    %get3A_3 = arith.constant 0 : index
    %get3A_4 = vector.load %arg4[%get3A_2, %get3A_3] : memref<1x1024xf32, #tpu.memory_space<vmem>>, vector<1x1024xf32>
    %add3A = vector.broadcast %get3A_1 : vector<512x1xf32> to vector<512x1024xf32>
    %add3A_5 = vector.broadcast %get3A_4 : vector<1x1024xf32> to vector<512x1024xf32>
    %add3A_6 = arith.addf %add3A, %add3A_5 : vector<512x1024xf32>
    %ge3A = arith.constant 0.000000e+00 : f32
    %ge3A_7 = vector.broadcast %ge3A : f32 to vector<512x1024xf32>
    %ge3A_8 = arith.cmpf oge, %add3A_6, %ge3A_7 : vector<512x1024xf32>
    %mul3A = arith.constant 2.000000e-01 : f32
    %mul3A_9 = vector.broadcast %mul3A : f32 to vector<512x1024xf32>
    %mul3A_10 = arith.mulf %mul3A_9, %add3A_6 : vector<512x1024xf32>
    %select_n3A = arith.select %ge3A_8, %add3A_6, %mul3A_10 : vector<512x1024xi1>, vector<512x1024xf32>
    %get3A_11 = arith.constant 0 : index
    %get3A_12 = arith.constant 0 : index
    %get3A_13 = vector.load %arg1[%get3A_11, %get3A_12] : memref<512x1024xf32, #tpu.memory_space<vmem>>, vector<512x1024xf32>
    %ne3A = arith.constant 0.000000e+00 : f32
    %ne3A_14 = vector.broadcast %ne3A : f32 to vector<512x1024xf32>
    %ne3A_15 = arith.cmpf one, %get3A_13, %ne3A_14 : vector<512x1024xf32>
    %jit3A = arith.constant -1.000000e+09 : f32
    %broadcast_in_dim3A = vector.broadcast %jit3A : f32 to vector<512x1024xf32>
    %select_n3A_16 = arith.select %ne3A_15, %select_n3A, %broadcast_in_dim3A : vector<512x1024xi1>, vector<512x1024xf32>
    %reduce_max3A = arith.constant dense<0xFF800000> : vector<512xf32>
    %reduce_max3A_17 = vector.multi_reduction <maximumf>, %select_n3A_16, %reduce_max3A [1] : vector<512x1024xf32> to vector<512xf32>
    %broadcast_in_dim3A_18 = vector.shape_cast %reduce_max3A_17 : vector<512xf32> to vector<512x1xf32>
    %sub3A = vector.broadcast %broadcast_in_dim3A_18 : vector<512x1xf32> to vector<512x1024xf32>
    %sub3A_19 = arith.subf %select_n3A_16, %sub3A : vector<512x1024xf32>
    %exp3A = math.exp %sub3A_19 : vector<512x1024xf32>
    %reduce_sum3A = arith.constant dense<0.000000e+00> : vector<512xf32>
    %reduce_sum3A_20 = vector.multi_reduction <add>, %exp3A, %reduce_sum3A [1] : vector<512x1024xf32> to vector<512xf32>
    %broadcast_in_dim3A_21 = vector.shape_cast %reduce_sum3A_20 : vector<512xf32> to vector<512x1xf32>
    %get3A_22 = arith.constant 0 : index
    %get3A_23 = arith.constant 0 : index
    %get3A_24 = vector.load %arg2[%get3A_22, %get3A_23] : memref<1024x128xf32, #tpu.memory_space<vmem>>, vector<1024x128xf32>
    %dot_general3A = arith.constant dense<0.000000e+00> : vector<512x128xf32>
    %dot_general3A_25 = tpu.matmul %exp3A, %get3A_24, %dot_general3A {dimension_numbers = #tpu.dot_dimension_numbers<[1], [0], [0], [1], [0, 0, 1, 1], [], []>, transpose_lhs_hint = false} : vector<512x1024xf32>, vector<1024x128xf32>, vector<512x128xf32> -> vector<512x128xf32>
    %div3A = vector.broadcast %broadcast_in_dim3A_21 : vector<512x1xf32> to vector<512x128xf32>
    %div3A_26 = arith.divf %dot_general3A_25, %div3A : vector<512x128xf32>
    %get3A_27 = arith.constant 0 : index
    %get3A_28 = arith.constant 0 : index
    %get3A_29 = vector.load %arg5[%get3A_27, %get3A_28] : memref<512x2048xf32, #tpu.memory_space<vmem>>, vector<512x2048xf32>
    %get3A_30 = arith.constant 0 : index
    %get3A_31 = arith.constant 0 : index
    %get3A_32 = vector.load %arg6[%get3A_30, %get3A_31] : memref<2048x128xf32, #tpu.memory_space<vmem>>, vector<2048x128xf32>
    %dot_general3A_33 = arith.constant dense<0.000000e+00> : vector<512x128xf32>
    %dot_general3A_34 = tpu.matmul %get3A_29, %get3A_32, %dot_general3A_33 {dimension_numbers = #tpu.dot_dimension_numbers<[1], [0], [0], [1], [0, 0, 1, 1], [], []>, transpose_lhs_hint = false} : vector<512x2048xf32>, vector<2048x128xf32>, vector<512x128xf32> -> vector<512x128xf32>
    %add3A_35 = arith.addf %div3A_26, %dot_general3A_34 : vector<512x128xf32>
    %max3A = arith.constant 0.000000e+00 : f32
    %max3A_36 = vector.broadcast %max3A : f32 to vector<512x128xf32>
    %max3A_37 = arith.maximumf %add3A_35, %max3A_36 : vector<512x128xf32>
    %get3A_38 = arith.constant 0 : index
    %get3A_39 = arith.constant 0 : index
    %get3A_40 = vector.load %arg7[%get3A_38, %get3A_39] : memref<128x256xf32, #tpu.memory_space<vmem>>, vector<128x256xf32>
    %dot_general3A_41 = arith.constant dense<0.000000e+00> : vector<512x256xf32>
    %dot_general3A_42 = tpu.matmul %max3A_37, %get3A_40, %dot_general3A_41 {dimension_numbers = #tpu.dot_dimension_numbers<[1], [0], [0], [1], [0, 0, 1, 1], [], []>, transpose_lhs_hint = false} : vector<512x128xf32>, vector<128x256xf32>, vector<512x256xf32> -> vector<512x256xf32>
    %swap3A = arith.constant 0 : index
    %swap3A_43 = arith.constant 0 : index
    %swap3A_44 = vector.load %arg11[%swap3A, %swap3A_43] : memref<512x256xf32, #tpu.memory_space<vmem>>, vector<512x256xf32>
    tpu.vector_store %arg11[%swap3A, %swap3A_43], %dot_general3A_42 {strides = array<i32>} : memref<512x256xf32, #tpu.memory_space<vmem>>, vector<512x256xf32>,
    %get3A_45 = arith.constant 0 : index
    %get3A_46 = arith.constant 0 : index
    %get3A_47 = vector.load %arg9[%get3A_45, %get3A_46] : memref<1x256xf32, #tpu.memory_space<vmem>>, vector<1x256xf32>
    %dot_general3A_48 = arith.constant dense<0.000000e+00> : vector<512x1xf32>
    %dot_general3A_49 = tpu.matmul %dot_general3A_42, %get3A_47, %dot_general3A_48 {dimension_numbers = #tpu.dot_dimension_numbers<[1], [1], [0], [0], [0, 0, 1, 0], [], []>, transpose_lhs_hint = false} : vector<512x256xf32>, vector<1x256xf32>, vector<512x1xf32> -> vector<512x1xf32>
    %swap3A_50 = arith.constant 0 : index
    %swap3A_51 = arith.constant 0 : index
    %swap3A_52 = vector.load %arg13[%swap3A_50, %swap3A_51] : memref<512x1xf32, #tpu.memory_space<vmem>>, vector<512x1xf32>
    tpu.vector_store %arg13[%swap3A_50, %swap3A_51], %dot_general3A_49 {strides = array<i32>} : memref<512x1xf32, #tpu.memory_space<vmem>>, vector<512x1xf32>,
    %get3A_53 = arith.constant 0 : index
    %get3A_54 = arith.constant 0 : index
    %get3A_55 = vector.load %arg10[%get3A_53, %get3A_54] : memref<1x256xf32, #tpu.memory_space<vmem>>, vector<1x256xf32>
    %dot_general3A_56 = arith.constant dense<0.000000e+00> : vector<1x512xf32>
    %dot_general3A_57 = tpu.matmul %get3A_55, %dot_general3A_42, %dot_general3A_56 {dimension_numbers = #tpu.dot_dimension_numbers<[1], [1], [0], [0], [0, 0, 1, 0], [], []>, transpose_lhs_hint = false} : vector<1x256xf32>, vector<512x256xf32>, vector<1x512xf32> -> vector<1x512xf32>
    %swap3A_58 = arith.constant 0 : index
    %swap3A_59 = arith.constant 0 : index
    %swap3A_60 = vector.load %arg14[%swap3A_58, %swap3A_59] : memref<1x512xf32, #tpu.memory_space<vmem>>, vector<1x512xf32>
    tpu.vector_store %arg14[%swap3A_58, %swap3A_59], %dot_general3A_57 {strides = array<i32>} : memref<1x512xf32, #tpu.memory_space<vmem>>, vector<1x512xf32>,
    %get3A_61 = arith.constant 0 : index
    %get3A_62 = arith.constant 0 : index
    %get3A_63 = vector.load %arg8[%get3A_61, %get3A_62] : memref<128x256xf32, #tpu.memory_space<vmem>>, vector<128x256xf32>
    %dot_general3A_64 = arith.constant dense<0.000000e+00> : vector<512x256xf32>
    %dot_general3A_65 = tpu.matmul %max3A_37, %get3A_63, %dot_general3A_64 {dimension_numbers = #tpu.dot_dimension_numbers<[1], [0], [0], [1], [0, 0, 1, 1], [], []>, transpose_lhs_hint = false} : vector<512x128xf32>, vector<128x256xf32>, vector<512x256xf32> -> vector<512x256xf32>
    %swap3A_66 = arith.constant 0 : index
    %swap3A_67 = arith.constant 0 : index
    %swap3A_68 = vector.load %arg12[%swap3A_66, %swap3A_67] : memref<512x256xf32, #tpu.memory_space<vmem>>, vector<512x256xf32>
    tpu.vector_store %arg12[%swap3A_66, %swap3A_67], %dot_general3A_65 {strides = array<i32>} : memref<512x256xf32, #tpu.memory_space<vmem>>, vector<512x256xf32>,
    return
  }
  func.func @transform_0(%arg0: i32) -> (i32, i32) {
    %c0_i32 = arith.constant 0 : i32
    %c0_i32_0 = arith.constant 0 : i32
    return %arg0, %c0_i32 : i32, i32
  }
  func.func @transform_1(%arg0: i32) -> (i32, i32) {
    %c0_i32 = arith.constant 0 : i32
    %c0_i32_0 = arith.constant 0 : i32
    %c0_i32_1 = arith.constant 0 : i32
    return %c0_i32, %c0_i32_0 : i32, i32
  }
  func.func @transform_2(%arg0: i32) -> (i32, i32) {
    %add3A = arith.constant 0 : i32
    %add3A_0 = arith.addi %add3A, %arg0 : i32
    %c0_i32 = arith.constant 0 : i32
    %c0_i32_1 = arith.constant 0 : i32
    return %add3A_0, %c0_i32 : i32, i32
  }
  func.func @transform_3(%arg0: i32) -> (i32, i32) {
    %c0_i32 = arith.constant 0 : i32
    %c0_i32_0 = arith.constant 0 : i32
    %c0_i32_1 = arith.constant 0 : i32
    return %c0_i32, %c0_i32_0 : i32, i32
  }
  func.func @transform_4(%arg0: i32) -> (i32, i32) {
    %c0_i32 = arith.constant 0 : i32
    %c0_i32_0 = arith.constant 0 : i32
    return %arg0, %c0_i32 : i32, i32
  }
  func.func @transform_5(%arg0: i32) -> (i32, i32) {
    %c1_i32 = arith.constant 1 : i32
    %c0_i32 = arith.constant 0 : i32
    %c0_i32_0 = arith.constant 0 : i32
    return %c1_i32, %c0_i32 : i32, i32
  }
  func.func @transform_6(%arg0: i32) -> (i32, i32) {
    %c0_i32 = arith.constant 0 : i32
    %c0_i32_0 = arith.constant 0 : i32
    %c0_i32_1 = arith.constant 0 : i32
    return %c0_i32, %c0_i32_0 : i32, i32
  }
  func.func @transform_7(%arg0: i32) -> (i32, i32) {
    %c0_i32 = arith.constant 0 : i32
    %c0_i32_0 = arith.constant 0 : i32
    %c0_i32_1 = arith.constant 0 : i32
    return %c0_i32, %c0_i32_0 : i32, i32
  }
  func.func @transform_8(%arg0: i32) -> (i32, i32) {
    %c0_i32 = arith.constant 0 : i32
    %c0_i32_0 = arith.constant 0 : i32
    %c0_i32_1 = arith.constant 0 : i32
    return %c0_i32, %c0_i32_0 : i32, i32
  }
  func.func @transform_9(%arg0: i32) -> (i32, i32) {
    %c0_i32 = arith.constant 0 : i32
    %c0_i32_0 = arith.constant 0 : i32
    %c0_i32_1 = arith.constant 0 : i32
    return %c0_i32, %c0_i32_0 : i32, i32
  }
  func.func @transform_10(%arg0: i32) -> (i32, i32) {
    %c0_i32 = arith.constant 0 : i32
    %c0_i32_0 = arith.constant 0 : i32
    return %arg0, %c0_i32 : i32, i32
  }
  func.func @transform_11(%arg0: i32) -> (i32, i32) {
    %c0_i32 = arith.constant 0 : i32
    %c0_i32_0 = arith.constant 0 : i32
    return %arg0, %c0_i32 : i32, i32
  }
  func.func @transform_12(%arg0: i32) -> (i32, i32) {
    %c0_i32 = arith.constant 0 : i32
    %c0_i32_0 = arith.constant 0 : i32
    return %arg0, %c0_i32 : i32, i32
  }
  func.func @transform_13(%arg0: i32) -> (i32, i32) {
    %c0_i32 = arith.constant 0 : i32
    %c0_i32_0 = arith.constant 0 : i32
    return %c0_i32, %arg0 : i32, i32
  }
}

module attributes {stable_mosaic.version = 14 : i64} {
  func.func @body(%arg0: i32, %arg1: memref<512x2048xf32, #tpu.memory_space<vmem>>, %arg2: memref<2048x128xf32, #tpu.memory_space<vmem>>, %arg3: memref<512x1xf32, #tpu.memory_space<vmem>>, %arg4: memref<1x2048xf32, #tpu.memory_space<vmem>>, %arg5: memref<1024x512xf32, #tpu.memory_space<vmem>>, %arg6: memref<1024x128xf32, #tpu.memory_space<vmem>>, %arg7: memref<512x2048xf32, #tpu.memory_space<vmem>>, %arg8: memref<2048x128xf32, #tpu.memory_space<vmem>>, %arg9: memref<128x256xf32, #tpu.memory_space<vmem>>, %arg10: memref<128x256xf32, #tpu.memory_space<vmem>>, %arg11: memref<128x256xf32, #tpu.memory_space<vmem>>, %arg12: memref<1x256xf32, #tpu.memory_space<vmem>>, %arg13: memref<1x256xf32, #tpu.memory_space<vmem>>, %arg14: memref<512x256xf32, #tpu.memory_space<vmem>>, %arg15: memref<512x256xf32, #tpu.memory_space<vmem>>, %arg16: memref<512x256xf32, #tpu.memory_space<vmem>>, %arg17: memref<512x1xf32, #tpu.memory_space<vmem>>, %arg18: memref<1x512xf32, #tpu.memory_space<vmem>>) attributes {dimension_semantics = [#tpu.dimension_semantics<arbitrary>], iteration_bounds = array<i64: 4>, scalar_prefetch = 0 : i64, scratch_operands = 0 : i64, tpu.core_type = #tpu.core_type<tc>, window_params = [{transform_indices = @transform_0, window_bounds = array<i64: 512, 2048>}, {transform_indices = @transform_1, window_bounds = array<i64: 2048, 128>}, {transform_indices = @transform_2, window_bounds = array<i64: 512, 1>}, {transform_indices = @transform_3, window_bounds = array<i64: 1, 2048>}, {transform_indices = @transform_4, window_bounds = array<i64: 1024, 512>}, {transform_indices = @transform_5, window_bounds = array<i64: 1024, 128>}, {transform_indices = @transform_6, window_bounds = array<i64: 512, 2048>}, {transform_indices = @transform_7, window_bounds = array<i64: 2048, 128>}, {pipeline_mode = #tpu.pipeline_mode<synchronous>, transform_indices = @transform_8, window_bounds = array<i64: 128, 256>}, {pipeline_mode = #tpu.pipeline_mode<synchronous>, transform_indices = @transform_9, window_bounds = array<i64: 128, 256>}, {pipeline_mode = #tpu.pipeline_mode<synchronous>, transform_indices = @transform_10, window_bounds = array<i64: 128, 256>}, {pipeline_mode = #tpu.pipeline_mode<synchronous>, transform_indices = @transform_11, window_bounds = array<i64: 1, 256>}, {pipeline_mode = #tpu.pipeline_mode<synchronous>, transform_indices = @transform_12, window_bounds = array<i64: 1, 256>}, {transform_indices = @transform_13, window_bounds = array<i64: 512, 256>}, {transform_indices = @transform_14, window_bounds = array<i64: 512, 256>}, {transform_indices = @transform_15, window_bounds = array<i64: 512, 256>}, {transform_indices = @transform_16, window_bounds = array<i64: 512, 1>}, {transform_indices = @transform_17, window_bounds = array<i64: 1, 512>}]} {
    %get3A = arith.constant 0 : index
    %get3A_0 = arith.constant 0 : index
    %get3A_1 = vector.load %arg3[%get3A, %get3A_0] : memref<512x1xf32, #tpu.memory_space<vmem>>, vector<512x1xf32>
    %get3A_2 = arith.constant 0 : index
    %get3A_3 = arith.constant 0 : index
    %get3A_4 = vector.load %arg4[%get3A_2, %get3A_3] : memref<1x2048xf32, #tpu.memory_space<vmem>>, vector<1x2048xf32>
    %add3A = vector.broadcast %get3A_1 : vector<512x1xf32> to vector<512x2048xf32>
    %add3A_5 = vector.broadcast %get3A_4 : vector<1x2048xf32> to vector<512x2048xf32>
    %add3A_6 = arith.addf %add3A, %add3A_5 : vector<512x2048xf32>
    %ge3A = arith.constant 0.000000e+00 : f32
    %ge3A_7 = vector.broadcast %ge3A : f32 to vector<512x2048xf32>
    %ge3A_8 = arith.cmpf oge, %add3A_6, %ge3A_7 : vector<512x2048xf32>
    %mul3A = arith.constant 2.000000e-01 : f32
    %mul3A_9 = vector.broadcast %mul3A : f32 to vector<512x2048xf32>
    %mul3A_10 = arith.mulf %mul3A_9, %add3A_6 : vector<512x2048xf32>
    %select_n3A = arith.select %ge3A_8, %add3A_6, %mul3A_10 : vector<512x2048xi1>, vector<512x2048xf32>
    %get3A_11 = arith.constant 0 : index
    %get3A_12 = arith.constant 0 : index
    %get3A_13 = vector.load %arg1[%get3A_11, %get3A_12] : memref<512x2048xf32, #tpu.memory_space<vmem>>, vector<512x2048xf32>
    %ne3A = arith.constant 0.000000e+00 : f32
    %ne3A_14 = vector.broadcast %ne3A : f32 to vector<512x2048xf32>
    %ne3A_15 = arith.cmpf one, %get3A_13, %ne3A_14 : vector<512x2048xf32>
    %jit3A = arith.constant -1.000000e+09 : f32
    %broadcast_in_dim3A = vector.broadcast %jit3A : f32 to vector<512x2048xf32>
    %select_n3A_16 = arith.select %ne3A_15, %select_n3A, %broadcast_in_dim3A : vector<512x2048xi1>, vector<512x2048xf32>
    %reduce_max3A = arith.constant dense<0xFF800000> : vector<512xf32>
    %reduce_max3A_17 = vector.multi_reduction <maximumf>, %select_n3A_16, %reduce_max3A [1] : vector<512x2048xf32> to vector<512xf32>
    %broadcast_in_dim3A_18 = vector.shape_cast %reduce_max3A_17 : vector<512xf32> to vector<512x1xf32>
    %sub3A = vector.broadcast %broadcast_in_dim3A_18 : vector<512x1xf32> to vector<512x2048xf32>
    %sub3A_19 = arith.subf %select_n3A_16, %sub3A : vector<512x2048xf32>
    %exp3A = math.exp %sub3A_19 : vector<512x2048xf32>
    %reduce_sum3A = arith.constant dense<0.000000e+00> : vector<512xf32>
    %reduce_sum3A_20 = vector.multi_reduction <add>, %exp3A, %reduce_sum3A [1] : vector<512x2048xf32> to vector<512xf32>
    %broadcast_in_dim3A_21 = vector.shape_cast %reduce_sum3A_20 : vector<512xf32> to vector<512x1xf32>
    %get3A_22 = arith.constant 0 : index
    %get3A_23 = arith.constant 0 : index
    %get3A_24 = vector.load %arg2[%get3A_22, %get3A_23] : memref<2048x128xf32, #tpu.memory_space<vmem>>, vector<2048x128xf32>
    %dot_general3A = arith.constant dense<0.000000e+00> : vector<512x128xf32>
    %dot_general3A_25 = tpu.matmul %exp3A, %get3A_24, %dot_general3A {dimension_numbers = #tpu.dot_dimension_numbers<[1], [0], [0], [1], [0, 0, 1, 1], [], []>, transpose_lhs_hint = false} : vector<512x2048xf32>, vector<2048x128xf32>, vector<512x128xf32> -> vector<512x128xf32>
    %div3A = vector.broadcast %broadcast_in_dim3A_21 : vector<512x1xf32> to vector<512x128xf32>
    %div3A_26 = arith.divf %dot_general3A_25, %div3A : vector<512x128xf32>
    %get3A_27 = arith.constant 0 : index
    %get3A_28 = arith.constant 0 : index
    %get3A_29 = vector.load %arg5[%get3A_27, %get3A_28] : memref<1024x512xf32, #tpu.memory_space<vmem>>, vector<1024x512xf32>
    %get3A_30 = arith.constant 0 : index
    %get3A_31 = arith.constant 0 : index
    %get3A_32 = vector.load %arg6[%get3A_30, %get3A_31] : memref<1024x128xf32, #tpu.memory_space<vmem>>, vector<1024x128xf32>
    %dot_general3A_33 = arith.constant dense<0.000000e+00> : vector<512x128xf32>
    %dot_general3A_34 = tpu.matmul %get3A_29, %get3A_32, %dot_general3A_33 {dimension_numbers = #tpu.dot_dimension_numbers<[0], [0], [1], [1], [0, 1, 1, 1], [], []>, transpose_lhs_hint = false} : vector<1024x512xf32>, vector<1024x128xf32>, vector<512x128xf32> -> vector<512x128xf32>
    %add3A_35 = arith.addf %div3A_26, %dot_general3A_34 : vector<512x128xf32>
    %get3A_36 = arith.constant 0 : index
    %get3A_37 = arith.constant 0 : index
    %get3A_38 = vector.load %arg7[%get3A_36, %get3A_37] : memref<512x2048xf32, #tpu.memory_space<vmem>>, vector<512x2048xf32>
    %get3A_39 = arith.constant 0 : index
    %get3A_40 = arith.constant 0 : index
    %get3A_41 = vector.load %arg8[%get3A_39, %get3A_40] : memref<2048x128xf32, #tpu.memory_space<vmem>>, vector<2048x128xf32>
    %dot_general3A_42 = arith.constant dense<0.000000e+00> : vector<512x128xf32>
    %dot_general3A_43 = tpu.matmul %get3A_38, %get3A_41, %dot_general3A_42 {dimension_numbers = #tpu.dot_dimension_numbers<[1], [0], [0], [1], [0, 0, 1, 1], [], []>, transpose_lhs_hint = false} : vector<512x2048xf32>, vector<2048x128xf32>, vector<512x128xf32> -> vector<512x128xf32>
    %add3A_44 = arith.addf %add3A_35, %dot_general3A_43 : vector<512x128xf32>
    %max3A = arith.constant 0.000000e+00 : f32
    %max3A_45 = vector.broadcast %max3A : f32 to vector<512x128xf32>
    %max3A_46 = arith.maximumf %add3A_44, %max3A_45 : vector<512x128xf32>
    %get3A_47 = arith.constant 0 : index
    %get3A_48 = arith.constant 0 : index
    %get3A_49 = vector.load %arg9[%get3A_47, %get3A_48] : memref<128x256xf32, #tpu.memory_space<vmem>>, vector<128x256xf32>
    %dot_general3A_50 = arith.constant dense<0.000000e+00> : vector<512x256xf32>
    %dot_general3A_51 = tpu.matmul %max3A_46, %get3A_49, %dot_general3A_50 {dimension_numbers = #tpu.dot_dimension_numbers<[1], [0], [0], [1], [0, 0, 1, 1], [], []>, transpose_lhs_hint = false} : vector<512x128xf32>, vector<128x256xf32>, vector<512x256xf32> -> vector<512x256xf32>
    %swap3A = arith.constant 0 : index
    %swap3A_52 = arith.constant 0 : index
    %swap3A_53 = vector.load %arg14[%swap3A, %swap3A_52] : memref<512x256xf32, #tpu.memory_space<vmem>>, vector<512x256xf32>
    tpu.vector_store %arg14[%swap3A, %swap3A_52], %dot_general3A_51 {strides = array<i32>} : memref<512x256xf32, #tpu.memory_space<vmem>>, vector<512x256xf32>,
    %get3A_54 = arith.constant 0 : index
    %get3A_55 = arith.constant 0 : index
    %get3A_56 = vector.load %arg12[%get3A_54, %get3A_55] : memref<1x256xf32, #tpu.memory_space<vmem>>, vector<1x256xf32>
    %dot_general3A_57 = arith.constant dense<0.000000e+00> : vector<512x1xf32>
    %dot_general3A_58 = tpu.matmul %dot_general3A_51, %get3A_56, %dot_general3A_57 {dimension_numbers = #tpu.dot_dimension_numbers<[1], [1], [0], [0], [0, 0, 1, 0], [], []>, transpose_lhs_hint = false} : vector<512x256xf32>, vector<1x256xf32>, vector<512x1xf32> -> vector<512x1xf32>
    %swap3A_59 = arith.constant 0 : index
    %swap3A_60 = arith.constant 0 : index
    %swap3A_61 = vector.load %arg17[%swap3A_59, %swap3A_60] : memref<512x1xf32, #tpu.memory_space<vmem>>, vector<512x1xf32>
    tpu.vector_store %arg17[%swap3A_59, %swap3A_60], %dot_general3A_58 {strides = array<i32>} : memref<512x1xf32, #tpu.memory_space<vmem>>, vector<512x1xf32>,
    %get3A_62 = arith.constant 0 : index
    %get3A_63 = arith.constant 0 : index
    %get3A_64 = vector.load %arg13[%get3A_62, %get3A_63] : memref<1x256xf32, #tpu.memory_space<vmem>>, vector<1x256xf32>
    %dot_general3A_65 = arith.constant dense<0.000000e+00> : vector<1x512xf32>
    %dot_general3A_66 = tpu.matmul %get3A_64, %dot_general3A_51, %dot_general3A_65 {dimension_numbers = #tpu.dot_dimension_numbers<[1], [1], [0], [0], [0, 0, 1, 0], [], []>, transpose_lhs_hint = false} : vector<1x256xf32>, vector<512x256xf32>, vector<1x512xf32> -> vector<1x512xf32>
    %swap3A_67 = arith.constant 0 : index
    %swap3A_68 = arith.constant 0 : index
    %swap3A_69 = vector.load %arg18[%swap3A_67, %swap3A_68] : memref<1x512xf32, #tpu.memory_space<vmem>>, vector<1x512xf32>
    tpu.vector_store %arg18[%swap3A_67, %swap3A_68], %dot_general3A_66 {strides = array<i32>} : memref<1x512xf32, #tpu.memory_space<vmem>>, vector<1x512xf32>,
    %get3A_70 = arith.constant 0 : index
    %get3A_71 = arith.constant 0 : index
    %get3A_72 = vector.load %arg10[%get3A_70, %get3A_71] : memref<128x256xf32, #tpu.memory_space<vmem>>, vector<128x256xf32>
    %dot_general3A_73 = arith.constant dense<0.000000e+00> : vector<512x256xf32>
    %dot_general3A_74 = tpu.matmul %max3A_46, %get3A_72, %dot_general3A_73 {dimension_numbers = #tpu.dot_dimension_numbers<[1], [0], [0], [1], [0, 0, 1, 1], [], []>, transpose_lhs_hint = false} : vector<512x128xf32>, vector<128x256xf32>, vector<512x256xf32> -> vector<512x256xf32>
    %swap3A_75 = arith.constant 0 : index
    %swap3A_76 = arith.constant 0 : index
    %swap3A_77 = vector.load %arg15[%swap3A_75, %swap3A_76] : memref<512x256xf32, #tpu.memory_space<vmem>>, vector<512x256xf32>
    tpu.vector_store %arg15[%swap3A_75, %swap3A_76], %dot_general3A_74 {strides = array<i32>} : memref<512x256xf32, #tpu.memory_space<vmem>>, vector<512x256xf32>,
    %get3A_78 = arith.constant 0 : index
    %get3A_79 = arith.constant 0 : index
    %get3A_80 = vector.load %arg11[%get3A_78, %get3A_79] : memref<128x256xf32, #tpu.memory_space<vmem>>, vector<128x256xf32>
    %dot_general3A_81 = arith.constant dense<0.000000e+00> : vector<512x256xf32>
    %dot_general3A_82 = tpu.matmul %max3A_46, %get3A_80, %dot_general3A_81 {dimension_numbers = #tpu.dot_dimension_numbers<[1], [0], [0], [1], [0, 0, 1, 1], [], []>, transpose_lhs_hint = false} : vector<512x128xf32>, vector<128x256xf32>, vector<512x256xf32> -> vector<512x256xf32>
    %swap3A_83 = arith.constant 0 : index
    %swap3A_84 = arith.constant 0 : index
    %swap3A_85 = vector.load %arg16[%swap3A_83, %swap3A_84] : memref<512x256xf32, #tpu.memory_space<vmem>>, vector<512x256xf32>
    tpu.vector_store %arg16[%swap3A_83, %swap3A_84], %dot_general3A_82 {strides = array<i32>} : memref<512x256xf32, #tpu.memory_space<vmem>>, vector<512x256xf32>,
    return
  }
  func.func @transform_0(%arg0: i32) -> (i32, i32) {
    %c0_i32 = arith.constant 0 : i32
    %c0_i32_0 = arith.constant 0 : i32
    return %arg0, %c0_i32 : i32, i32
  }
  func.func @transform_1(%arg0: i32) -> (i32, i32) {
    %c1_i32 = arith.constant 1 : i32
    %c0_i32 = arith.constant 0 : i32
    %c0_i32_0 = arith.constant 0 : i32
    return %c1_i32, %c0_i32 : i32, i32
  }
  func.func @transform_2(%arg0: i32) -> (i32, i32) {
    %add3A = arith.constant 4 : i32
    %add3A_0 = arith.addi %add3A, %arg0 : i32
    %c0_i32 = arith.constant 0 : i32
    %c0_i32_1 = arith.constant 0 : i32
    return %add3A_0, %c0_i32 : i32, i32
  }
  func.func @transform_3(%arg0: i32) -> (i32, i32) {
    %c0_i32 = arith.constant 0 : i32
    %c1_i32 = arith.constant 1 : i32
    %c0_i32_0 = arith.constant 0 : i32
    return %c0_i32, %c1_i32 : i32, i32
  }
  func.func @transform_4(%arg0: i32) -> (i32, i32) {
    %c0_i32 = arith.constant 0 : i32
    %c0_i32_0 = arith.constant 0 : i32
    return %c0_i32, %arg0 : i32, i32
  }
  func.func @transform_5(%arg0: i32) -> (i32, i32) {
    %c0_i32 = arith.constant 0 : i32
    %c0_i32_0 = arith.constant 0 : i32
    %c0_i32_1 = arith.constant 0 : i32
    return %c0_i32, %c0_i32_0 : i32, i32
  }
  func.func @transform_6(%arg0: i32) -> (i32, i32) {
    %c0_i32 = arith.constant 0 : i32
    %c0_i32_0 = arith.constant 0 : i32
    return %arg0, %c0_i32 : i32, i32
  }
  func.func @transform_7(%arg0: i32) -> (i32, i32) {
    %c2_i32 = arith.constant 2 : i32
    %c0_i32 = arith.constant 0 : i32
    %c0_i32_0 = arith.constant 0 : i32
    return %c2_i32, %c0_i32 : i32, i32
  }
  func.func @transform_8(%arg0: i32) -> (i32, i32) {
    %c0_i32 = arith.constant 0 : i32
    %c0_i32_0 = arith.constant 0 : i32
    %c0_i32_1 = arith.constant 0 : i32
    return %c0_i32, %c0_i32_0 : i32, i32
  }
  func.func @transform_9(%arg0: i32) -> (i32, i32) {
    %c0_i32 = arith.constant 0 : i32
    %c0_i32_0 = arith.constant 0 : i32
    %c0_i32_1 = arith.constant 0 : i32
    return %c0_i32, %c0_i32_0 : i32, i32
  }
  func.func @transform_10(%arg0: i32) -> (i32, i32) {
    %c0_i32 = arith.constant 0 : i32
    %c0_i32_0 = arith.constant 0 : i32
    %c0_i32_1 = arith.constant 0 : i32
    return %c0_i32, %c0_i32_0 : i32, i32
  }
  func.func @transform_11(%arg0: i32) -> (i32, i32) {
    %c0_i32 = arith.constant 0 : i32
    %c0_i32_0 = arith.constant 0 : i32
    %c0_i32_1 = arith.constant 0 : i32
    return %c0_i32, %c0_i32_0 : i32, i32
  }
  func.func @transform_12(%arg0: i32) -> (i32, i32) {
    %c0_i32 = arith.constant 0 : i32
    %c0_i32_0 = arith.constant 0 : i32
    %c0_i32_1 = arith.constant 0 : i32
    return %c0_i32, %c0_i32_0 : i32, i32
  }
  func.func @transform_13(%arg0: i32) -> (i32, i32) {
    %c0_i32 = arith.constant 0 : i32
    %c0_i32_0 = arith.constant 0 : i32
    return %arg0, %c0_i32 : i32, i32
  }
  func.func @transform_14(%arg0: i32) -> (i32, i32) {
    %c0_i32 = arith.constant 0 : i32
    %c0_i32_0 = arith.constant 0 : i32
    return %arg0, %c0_i32 : i32, i32
  }
  func.func @transform_15(%arg0: i32) -> (i32, i32) {
    %c0_i32 = arith.constant 0 : i32
    %c0_i32_0 = arith.constant 0 : i32
    return %arg0, %c0_i32 : i32, i32
  }
  func.func @transform_16(%arg0: i32) -> (i32, i32) {
    %c0_i32 = arith.constant 0 : i32
    %c0_i32_0 = arith.constant 0 : i32
    return %arg0, %c0_i32 : i32, i32
  }
  func.func @transform_17(%arg0: i32) -> (i32, i32) {
    %c0_i32 = arith.constant 0 : i32
    %c0_i32_0 = arith.constant 0 : i32
    return %c0_i32, %arg0 : i32, i32
  }
}

module attributes {stable_mosaic.version = 14 : i64} {
  func.func @body(%arg0: i32, %arg1: memref<512x2048xf32, #tpu.memory_space<vmem>>, %arg2: memref<2048x128xf32, #tpu.memory_space<vmem>>, %arg3: memref<512x1xf32, #tpu.memory_space<vmem>>, %arg4: memref<1x2048xf32, #tpu.memory_space<vmem>>, %arg5: memref<2048x512xf32, #tpu.memory_space<vmem>>, %arg6: memref<2048x128xf32, #tpu.memory_space<vmem>>, %arg7: memref<512x1024xf32, #tpu.memory_space<vmem>>, %arg8: memref<1024x128xf32, #tpu.memory_space<vmem>>, %arg9: memref<128x256xf32, #tpu.memory_space<vmem>>, %arg10: memref<128x256xf32, #tpu.memory_space<vmem>>, %arg11: memref<1x256xf32, #tpu.memory_space<vmem>>, %arg12: memref<1x256xf32, #tpu.memory_space<vmem>>, %arg13: memref<512x256xf32, #tpu.memory_space<vmem>>, %arg14: memref<512x256xf32, #tpu.memory_space<vmem>>, %arg15: memref<512x1xf32, #tpu.memory_space<vmem>>, %arg16: memref<1x512xf32, #tpu.memory_space<vmem>>) attributes {dimension_semantics = [#tpu.dimension_semantics<arbitrary>], iteration_bounds = array<i64: 4>, scalar_prefetch = 0 : i64, scratch_operands = 0 : i64, tpu.core_type = #tpu.core_type<tc>, window_params = [{transform_indices = @transform_0, window_bounds = array<i64: 512, 2048>}, {transform_indices = @transform_1, window_bounds = array<i64: 2048, 128>}, {transform_indices = @transform_2, window_bounds = array<i64: 512, 1>}, {transform_indices = @transform_3, window_bounds = array<i64: 1, 2048>}, {transform_indices = @transform_4, window_bounds = array<i64: 2048, 512>}, {transform_indices = @transform_5, window_bounds = array<i64: 2048, 128>}, {transform_indices = @transform_6, window_bounds = array<i64: 512, 1024>}, {transform_indices = @transform_7, window_bounds = array<i64: 1024, 128>}, {pipeline_mode = #tpu.pipeline_mode<synchronous>, transform_indices = @transform_8, window_bounds = array<i64: 128, 256>}, {pipeline_mode = #tpu.pipeline_mode<synchronous>, transform_indices = @transform_9, window_bounds = array<i64: 128, 256>}, {pipeline_mode = #tpu.pipeline_mode<synchronous>, transform_indices = @transform_10, window_bounds = array<i64: 1, 256>}, {pipeline_mode = #tpu.pipeline_mode<synchronous>, transform_indices = @transform_11, window_bounds = array<i64: 1, 256>}, {transform_indices = @transform_12, window_bounds = array<i64: 512, 256>}, {transform_indices = @transform_13, window_bounds = array<i64: 512, 256>}, {transform_indices = @transform_14, window_bounds = array<i64: 512, 1>}, {transform_indices = @transform_15, window_bounds = array<i64: 1, 512>}]} {
    %get3A = arith.constant 0 : index
    %get3A_0 = arith.constant 0 : index
    %get3A_1 = vector.load %arg3[%get3A, %get3A_0] : memref<512x1xf32, #tpu.memory_space<vmem>>, vector<512x1xf32>
    %get3A_2 = arith.constant 0 : index
    %get3A_3 = arith.constant 0 : index
    %get3A_4 = vector.load %arg4[%get3A_2, %get3A_3] : memref<1x2048xf32, #tpu.memory_space<vmem>>, vector<1x2048xf32>
    %add3A = vector.broadcast %get3A_1 : vector<512x1xf32> to vector<512x2048xf32>
    %add3A_5 = vector.broadcast %get3A_4 : vector<1x2048xf32> to vector<512x2048xf32>
    %add3A_6 = arith.addf %add3A, %add3A_5 : vector<512x2048xf32>
    %ge3A = arith.constant 0.000000e+00 : f32
    %ge3A_7 = vector.broadcast %ge3A : f32 to vector<512x2048xf32>
    %ge3A_8 = arith.cmpf oge, %add3A_6, %ge3A_7 : vector<512x2048xf32>
    %mul3A = arith.constant 2.000000e-01 : f32
    %mul3A_9 = vector.broadcast %mul3A : f32 to vector<512x2048xf32>
    %mul3A_10 = arith.mulf %mul3A_9, %add3A_6 : vector<512x2048xf32>
    %select_n3A = arith.select %ge3A_8, %add3A_6, %mul3A_10 : vector<512x2048xi1>, vector<512x2048xf32>
    %get3A_11 = arith.constant 0 : index
    %get3A_12 = arith.constant 0 : index
    %get3A_13 = vector.load %arg1[%get3A_11, %get3A_12] : memref<512x2048xf32, #tpu.memory_space<vmem>>, vector<512x2048xf32>
    %ne3A = arith.constant 0.000000e+00 : f32
    %ne3A_14 = vector.broadcast %ne3A : f32 to vector<512x2048xf32>
    %ne3A_15 = arith.cmpf one, %get3A_13, %ne3A_14 : vector<512x2048xf32>
    %jit3A = arith.constant -1.000000e+09 : f32
    %broadcast_in_dim3A = vector.broadcast %jit3A : f32 to vector<512x2048xf32>
    %select_n3A_16 = arith.select %ne3A_15, %select_n3A, %broadcast_in_dim3A : vector<512x2048xi1>, vector<512x2048xf32>
    %reduce_max3A = arith.constant dense<0xFF800000> : vector<512xf32>
    %reduce_max3A_17 = vector.multi_reduction <maximumf>, %select_n3A_16, %reduce_max3A [1] : vector<512x2048xf32> to vector<512xf32>
    %broadcast_in_dim3A_18 = vector.shape_cast %reduce_max3A_17 : vector<512xf32> to vector<512x1xf32>
    %sub3A = vector.broadcast %broadcast_in_dim3A_18 : vector<512x1xf32> to vector<512x2048xf32>
    %sub3A_19 = arith.subf %select_n3A_16, %sub3A : vector<512x2048xf32>
    %exp3A = math.exp %sub3A_19 : vector<512x2048xf32>
    %reduce_sum3A = arith.constant dense<0.000000e+00> : vector<512xf32>
    %reduce_sum3A_20 = vector.multi_reduction <add>, %exp3A, %reduce_sum3A [1] : vector<512x2048xf32> to vector<512xf32>
    %broadcast_in_dim3A_21 = vector.shape_cast %reduce_sum3A_20 : vector<512xf32> to vector<512x1xf32>
    %get3A_22 = arith.constant 0 : index
    %get3A_23 = arith.constant 0 : index
    %get3A_24 = vector.load %arg2[%get3A_22, %get3A_23] : memref<2048x128xf32, #tpu.memory_space<vmem>>, vector<2048x128xf32>
    %dot_general3A = arith.constant dense<0.000000e+00> : vector<512x128xf32>
    %dot_general3A_25 = tpu.matmul %exp3A, %get3A_24, %dot_general3A {dimension_numbers = #tpu.dot_dimension_numbers<[1], [0], [0], [1], [0, 0, 1, 1], [], []>, transpose_lhs_hint = false} : vector<512x2048xf32>, vector<2048x128xf32>, vector<512x128xf32> -> vector<512x128xf32>
    %div3A = vector.broadcast %broadcast_in_dim3A_21 : vector<512x1xf32> to vector<512x128xf32>
    %div3A_26 = arith.divf %dot_general3A_25, %div3A : vector<512x128xf32>
    %get3A_27 = arith.constant 0 : index
    %get3A_28 = arith.constant 0 : index
    %get3A_29 = vector.load %arg5[%get3A_27, %get3A_28] : memref<2048x512xf32, #tpu.memory_space<vmem>>, vector<2048x512xf32>
    %get3A_30 = arith.constant 0 : index
    %get3A_31 = arith.constant 0 : index
    %get3A_32 = vector.load %arg6[%get3A_30, %get3A_31] : memref<2048x128xf32, #tpu.memory_space<vmem>>, vector<2048x128xf32>
    %dot_general3A_33 = arith.constant dense<0.000000e+00> : vector<512x128xf32>
    %dot_general3A_34 = tpu.matmul %get3A_29, %get3A_32, %dot_general3A_33 {dimension_numbers = #tpu.dot_dimension_numbers<[0], [0], [1], [1], [0, 1, 1, 1], [], []>, transpose_lhs_hint = false} : vector<2048x512xf32>, vector<2048x128xf32>, vector<512x128xf32> -> vector<512x128xf32>
    %add3A_35 = arith.addf %div3A_26, %dot_general3A_34 : vector<512x128xf32>
    %get3A_36 = arith.constant 0 : index
    %get3A_37 = arith.constant 0 : index
    %get3A_38 = vector.load %arg7[%get3A_36, %get3A_37] : memref<512x1024xf32, #tpu.memory_space<vmem>>, vector<512x1024xf32>
    %get3A_39 = arith.constant 0 : index
    %get3A_40 = arith.constant 0 : index
    %get3A_41 = vector.load %arg8[%get3A_39, %get3A_40] : memref<1024x128xf32, #tpu.memory_space<vmem>>, vector<1024x128xf32>
    %dot_general3A_42 = arith.constant dense<0.000000e+00> : vector<512x128xf32>
    %dot_general3A_43 = tpu.matmul %get3A_38, %get3A_41, %dot_general3A_42 {dimension_numbers = #tpu.dot_dimension_numbers<[1], [0], [0], [1], [0, 0, 1, 1], [], []>, transpose_lhs_hint = false} : vector<512x1024xf32>, vector<1024x128xf32>, vector<512x128xf32> -> vector<512x128xf32>
    %add3A_44 = arith.addf %add3A_35, %dot_general3A_43 : vector<512x128xf32>
    %max3A = arith.constant 0.000000e+00 : f32
    %max3A_45 = vector.broadcast %max3A : f32 to vector<512x128xf32>
    %max3A_46 = arith.maximumf %add3A_44, %max3A_45 : vector<512x128xf32>
    %get3A_47 = arith.constant 0 : index
    %get3A_48 = arith.constant 0 : index
    %get3A_49 = vector.load %arg9[%get3A_47, %get3A_48] : memref<128x256xf32, #tpu.memory_space<vmem>>, vector<128x256xf32>
    %dot_general3A_50 = arith.constant dense<0.000000e+00> : vector<512x256xf32>
    %dot_general3A_51 = tpu.matmul %max3A_46, %get3A_49, %dot_general3A_50 {dimension_numbers = #tpu.dot_dimension_numbers<[1], [0], [0], [1], [0, 0, 1, 1], [], []>, transpose_lhs_hint = false} : vector<512x128xf32>, vector<128x256xf32>, vector<512x256xf32> -> vector<512x256xf32>
    %swap3A = arith.constant 0 : index
    %swap3A_52 = arith.constant 0 : index
    %swap3A_53 = vector.load %arg13[%swap3A, %swap3A_52] : memref<512x256xf32, #tpu.memory_space<vmem>>, vector<512x256xf32>
    tpu.vector_store %arg13[%swap3A, %swap3A_52], %dot_general3A_51 {strides = array<i32>} : memref<512x256xf32, #tpu.memory_space<vmem>>, vector<512x256xf32>,
    %get3A_54 = arith.constant 0 : index
    %get3A_55 = arith.constant 0 : index
    %get3A_56 = vector.load %arg11[%get3A_54, %get3A_55] : memref<1x256xf32, #tpu.memory_space<vmem>>, vector<1x256xf32>
    %dot_general3A_57 = arith.constant dense<0.000000e+00> : vector<512x1xf32>
    %dot_general3A_58 = tpu.matmul %dot_general3A_51, %get3A_56, %dot_general3A_57 {dimension_numbers = #tpu.dot_dimension_numbers<[1], [1], [0], [0], [0, 0, 1, 0], [], []>, transpose_lhs_hint = false} : vector<512x256xf32>, vector<1x256xf32>, vector<512x1xf32> -> vector<512x1xf32>
    %swap3A_59 = arith.constant 0 : index
    %swap3A_60 = arith.constant 0 : index
    %swap3A_61 = vector.load %arg15[%swap3A_59, %swap3A_60] : memref<512x1xf32, #tpu.memory_space<vmem>>, vector<512x1xf32>
    tpu.vector_store %arg15[%swap3A_59, %swap3A_60], %dot_general3A_58 {strides = array<i32>} : memref<512x1xf32, #tpu.memory_space<vmem>>, vector<512x1xf32>,
    %get3A_62 = arith.constant 0 : index
    %get3A_63 = arith.constant 0 : index
    %get3A_64 = vector.load %arg12[%get3A_62, %get3A_63] : memref<1x256xf32, #tpu.memory_space<vmem>>, vector<1x256xf32>
    %dot_general3A_65 = arith.constant dense<0.000000e+00> : vector<1x512xf32>
    %dot_general3A_66 = tpu.matmul %get3A_64, %dot_general3A_51, %dot_general3A_65 {dimension_numbers = #tpu.dot_dimension_numbers<[1], [1], [0], [0], [0, 0, 1, 0], [], []>, transpose_lhs_hint = false} : vector<1x256xf32>, vector<512x256xf32>, vector<1x512xf32> -> vector<1x512xf32>
    %swap3A_67 = arith.constant 0 : index
    %swap3A_68 = arith.constant 0 : index
    %swap3A_69 = vector.load %arg16[%swap3A_67, %swap3A_68] : memref<1x512xf32, #tpu.memory_space<vmem>>, vector<1x512xf32>
    tpu.vector_store %arg16[%swap3A_67, %swap3A_68], %dot_general3A_66 {strides = array<i32>} : memref<1x512xf32, #tpu.memory_space<vmem>>, vector<1x512xf32>,
    %get3A_70 = arith.constant 0 : index
    %get3A_71 = arith.constant 0 : index
    %get3A_72 = vector.load %arg10[%get3A_70, %get3A_71] : memref<128x256xf32, #tpu.memory_space<vmem>>, vector<128x256xf32>
    %dot_general3A_73 = arith.constant dense<0.000000e+00> : vector<512x256xf32>
    %dot_general3A_74 = tpu.matmul %max3A_46, %get3A_72, %dot_general3A_73 {dimension_numbers = #tpu.dot_dimension_numbers<[1], [0], [0], [1], [0, 0, 1, 1], [], []>, transpose_lhs_hint = false} : vector<512x128xf32>, vector<128x256xf32>, vector<512x256xf32> -> vector<512x256xf32>
    %swap3A_75 = arith.constant 0 : index
    %swap3A_76 = arith.constant 0 : index
    %swap3A_77 = vector.load %arg14[%swap3A_75, %swap3A_76] : memref<512x256xf32, #tpu.memory_space<vmem>>, vector<512x256xf32>
    tpu.vector_store %arg14[%swap3A_75, %swap3A_76], %dot_general3A_74 {strides = array<i32>} : memref<512x256xf32, #tpu.memory_space<vmem>>, vector<512x256xf32>,
    return
  }
  func.func @transform_0(%arg0: i32) -> (i32, i32) {
    %c0_i32 = arith.constant 0 : i32
    %c0_i32_0 = arith.constant 0 : i32
    return %arg0, %c0_i32 : i32, i32
  }
  func.func @transform_1(%arg0: i32) -> (i32, i32) {
    %c2_i32 = arith.constant 2 : i32
    %c0_i32 = arith.constant 0 : i32
    %c0_i32_0 = arith.constant 0 : i32
    return %c2_i32, %c0_i32 : i32, i32
  }
  func.func @transform_2(%arg0: i32) -> (i32, i32) {
    %add3A = arith.constant 8 : i32
    %add3A_0 = arith.addi %add3A, %arg0 : i32
    %c0_i32 = arith.constant 0 : i32
    %c0_i32_1 = arith.constant 0 : i32
    return %add3A_0, %c0_i32 : i32, i32
  }
  func.func @transform_3(%arg0: i32) -> (i32, i32) {
    %c0_i32 = arith.constant 0 : i32
    %c2_i32 = arith.constant 2 : i32
    %c0_i32_0 = arith.constant 0 : i32
    return %c0_i32, %c2_i32 : i32, i32
  }
  func.func @transform_4(%arg0: i32) -> (i32, i32) {
    %c0_i32 = arith.constant 0 : i32
    %c0_i32_0 = arith.constant 0 : i32
    return %c0_i32, %arg0 : i32, i32
  }
  func.func @transform_5(%arg0: i32) -> (i32, i32) {
    %c1_i32 = arith.constant 1 : i32
    %c0_i32 = arith.constant 0 : i32
    %c0_i32_0 = arith.constant 0 : i32
    return %c1_i32, %c0_i32 : i32, i32
  }
  func.func @transform_6(%arg0: i32) -> (i32, i32) {
    %c0_i32 = arith.constant 0 : i32
    %c0_i32_0 = arith.constant 0 : i32
    return %arg0, %c0_i32 : i32, i32
  }
  func.func @transform_7(%arg0: i32) -> (i32, i32) {
    %c1_i32 = arith.constant 1 : i32
    %c0_i32 = arith.constant 0 : i32
    %c0_i32_0 = arith.constant 0 : i32
    return %c1_i32, %c0_i32 : i32, i32
  }
  func.func @transform_8(%arg0: i32) -> (i32, i32) {
    %c0_i32 = arith.constant 0 : i32
    %c0_i32_0 = arith.constant 0 : i32
    %c0_i32_1 = arith.constant 0 : i32
    return %c0_i32, %c0_i32_0 : i32, i32
  }
  func.func @transform_9(%arg0: i32) -> (i32, i32) {
    %c0_i32 = arith.constant 0 : i32
    %c0_i32_0 = arith.constant 0 : i32
    %c0_i32_1 = arith.constant 0 : i32
    return %c0_i32, %c0_i32_0 : i32, i32
  }
  func.func @transform_10(%arg0: i32) -> (i32, i32) {
    %c0_i32 = arith.constant 0 : i32
    %c0_i32_0 = arith.constant 0 : i32
    %c0_i32_1 = arith.constant 0 : i32
    return %c0_i32, %c0_i32_0 : i32, i32
  }
  func.func @transform_11(%arg0: i32) -> (i32, i32) {
    %c0_i32 = arith.constant 0 : i32
    %c0_i32_0 = arith.constant 0 : i32
    %c0_i32_1 = arith.constant 0 : i32
    return %c0_i32, %c0_i32_0 : i32, i32
  }
  func.func @transform_12(%arg0: i32) -> (i32, i32) {
    %c0_i32 = arith.constant 0 : i32
    %c0_i32_0 = arith.constant 0 : i32
    return %arg0, %c0_i32 : i32, i32
  }
  func.func @transform_13(%arg0: i32) -> (i32, i32) {
    %c0_i32 = arith.constant 0 : i32
    %c0_i32_0 = arith.constant 0 : i32
    return %arg0, %c0_i32 : i32, i32
  }
  func.func @transform_14(%arg0: i32) -> (i32, i32) {
    %c0_i32 = arith.constant 0 : i32
    %c0_i32_0 = arith.constant 0 : i32
    return %arg0, %c0_i32 : i32, i32
  }
  func.func @transform_15(%arg0: i32) -> (i32, i32) {
    %c0_i32 = arith.constant 0 : i32
    %c0_i32_0 = arith.constant 0 : i32
    return %c0_i32, %arg0 : i32, i32
  }
}

module attributes {stable_mosaic.version = 14 : i64} {
  func.func @body(%arg0: i32, %arg1: memref<512x1024xf32, #tpu.memory_space<vmem>>, %arg2: memref<1024x128xf32, #tpu.memory_space<vmem>>, %arg3: memref<512x1xf32, #tpu.memory_space<vmem>>, %arg4: memref<1x1024xf32, #tpu.memory_space<vmem>>, %arg5: memref<2048x512xf32, #tpu.memory_space<vmem>>, %arg6: memref<2048x128xf32, #tpu.memory_space<vmem>>, %arg7: memref<128x256xf32, #tpu.memory_space<vmem>>, %arg8: memref<512x256xf32, #tpu.memory_space<vmem>>) attributes {dimension_semantics = [#tpu.dimension_semantics<arbitrary>], iteration_bounds = array<i64: 2>, scalar_prefetch = 0 : i64, scratch_operands = 0 : i64, tpu.core_type = #tpu.core_type<tc>, window_params = [{transform_indices = @transform_0, window_bounds = array<i64: 512, 1024>}, {transform_indices = @transform_1, window_bounds = array<i64: 1024, 128>}, {transform_indices = @transform_2, window_bounds = array<i64: 512, 1>}, {transform_indices = @transform_3, window_bounds = array<i64: 1, 1024>}, {transform_indices = @transform_4, window_bounds = array<i64: 2048, 512>}, {transform_indices = @transform_5, window_bounds = array<i64: 2048, 128>}, {pipeline_mode = #tpu.pipeline_mode<synchronous>, transform_indices = @transform_6, window_bounds = array<i64: 128, 256>}, {transform_indices = @transform_7, window_bounds = array<i64: 512, 256>}]} {
    %get3A = arith.constant 0 : index
    %get3A_0 = arith.constant 0 : index
    %get3A_1 = vector.load %arg3[%get3A, %get3A_0] : memref<512x1xf32, #tpu.memory_space<vmem>>, vector<512x1xf32>
    %get3A_2 = arith.constant 0 : index
    %get3A_3 = arith.constant 0 : index
    %get3A_4 = vector.load %arg4[%get3A_2, %get3A_3] : memref<1x1024xf32, #tpu.memory_space<vmem>>, vector<1x1024xf32>
    %add3A = vector.broadcast %get3A_1 : vector<512x1xf32> to vector<512x1024xf32>
    %add3A_5 = vector.broadcast %get3A_4 : vector<1x1024xf32> to vector<512x1024xf32>
    %add3A_6 = arith.addf %add3A, %add3A_5 : vector<512x1024xf32>
    %ge3A = arith.constant 0.000000e+00 : f32
    %ge3A_7 = vector.broadcast %ge3A : f32 to vector<512x1024xf32>
    %ge3A_8 = arith.cmpf oge, %add3A_6, %ge3A_7 : vector<512x1024xf32>
    %mul3A = arith.constant 2.000000e-01 : f32
    %mul3A_9 = vector.broadcast %mul3A : f32 to vector<512x1024xf32>
    %mul3A_10 = arith.mulf %mul3A_9, %add3A_6 : vector<512x1024xf32>
    %select_n3A = arith.select %ge3A_8, %add3A_6, %mul3A_10 : vector<512x1024xi1>, vector<512x1024xf32>
    %get3A_11 = arith.constant 0 : index
    %get3A_12 = arith.constant 0 : index
    %get3A_13 = vector.load %arg1[%get3A_11, %get3A_12] : memref<512x1024xf32, #tpu.memory_space<vmem>>, vector<512x1024xf32>
    %ne3A = arith.constant 0.000000e+00 : f32
    %ne3A_14 = vector.broadcast %ne3A : f32 to vector<512x1024xf32>
    %ne3A_15 = arith.cmpf one, %get3A_13, %ne3A_14 : vector<512x1024xf32>
    %jit3A = arith.constant -1.000000e+09 : f32
    %broadcast_in_dim3A = vector.broadcast %jit3A : f32 to vector<512x1024xf32>
    %select_n3A_16 = arith.select %ne3A_15, %select_n3A, %broadcast_in_dim3A : vector<512x1024xi1>, vector<512x1024xf32>
    %reduce_max3A = arith.constant dense<0xFF800000> : vector<512xf32>
    %reduce_max3A_17 = vector.multi_reduction <maximumf>, %select_n3A_16, %reduce_max3A [1] : vector<512x1024xf32> to vector<512xf32>
    %broadcast_in_dim3A_18 = vector.shape_cast %reduce_max3A_17 : vector<512xf32> to vector<512x1xf32>
    %sub3A = vector.broadcast %broadcast_in_dim3A_18 : vector<512x1xf32> to vector<512x1024xf32>
    %sub3A_19 = arith.subf %select_n3A_16, %sub3A : vector<512x1024xf32>
    %exp3A = math.exp %sub3A_19 : vector<512x1024xf32>
    %reduce_sum3A = arith.constant dense<0.000000e+00> : vector<512xf32>
    %reduce_sum3A_20 = vector.multi_reduction <add>, %exp3A, %reduce_sum3A [1] : vector<512x1024xf32> to vector<512xf32>
    %broadcast_in_dim3A_21 = vector.shape_cast %reduce_sum3A_20 : vector<512xf32> to vector<512x1xf32>
    %get3A_22 = arith.constant 0 : index
    %get3A_23 = arith.constant 0 : index
    %get3A_24 = vector.load %arg2[%get3A_22, %get3A_23] : memref<1024x128xf32, #tpu.memory_space<vmem>>, vector<1024x128xf32>
    %dot_general3A = arith.constant dense<0.000000e+00> : vector<512x128xf32>
    %dot_general3A_25 = tpu.matmul %exp3A, %get3A_24, %dot_general3A {dimension_numbers = #tpu.dot_dimension_numbers<[1], [0], [0], [1], [0, 0, 1, 1], [], []>, transpose_lhs_hint = false} : vector<512x1024xf32>, vector<1024x128xf32>, vector<512x128xf32> -> vector<512x128xf32>
    %div3A = vector.broadcast %broadcast_in_dim3A_21 : vector<512x1xf32> to vector<512x128xf32>
    %div3A_26 = arith.divf %dot_general3A_25, %div3A : vector<512x128xf32>
    %get3A_27 = arith.constant 0 : index
    %get3A_28 = arith.constant 0 : index
    %get3A_29 = vector.load %arg5[%get3A_27, %get3A_28] : memref<2048x512xf32, #tpu.memory_space<vmem>>, vector<2048x512xf32>
    %get3A_30 = arith.constant 0 : index
    %get3A_31 = arith.constant 0 : index
    %get3A_32 = vector.load %arg6[%get3A_30, %get3A_31] : memref<2048x128xf32, #tpu.memory_space<vmem>>, vector<2048x128xf32>
    %dot_general3A_33 = arith.constant dense<0.000000e+00> : vector<512x128xf32>
    %dot_general3A_34 = tpu.matmul %get3A_29, %get3A_32, %dot_general3A_33 {dimension_numbers = #tpu.dot_dimension_numbers<[0], [0], [1], [1], [0, 1, 1, 1], [], []>, transpose_lhs_hint = false} : vector<2048x512xf32>, vector<2048x128xf32>, vector<512x128xf32> -> vector<512x128xf32>
    %add3A_35 = arith.addf %div3A_26, %dot_general3A_34 : vector<512x128xf32>
    %max3A = arith.constant 0.000000e+00 : f32
    %max3A_36 = vector.broadcast %max3A : f32 to vector<512x128xf32>
    %max3A_37 = arith.maximumf %add3A_35, %max3A_36 : vector<512x128xf32>
    %get3A_38 = arith.constant 0 : index
    %get3A_39 = arith.constant 0 : index
    %get3A_40 = vector.load %arg7[%get3A_38, %get3A_39] : memref<128x256xf32, #tpu.memory_space<vmem>>, vector<128x256xf32>
    %dot_general3A_41 = arith.constant dense<0.000000e+00> : vector<512x256xf32>
    %dot_general3A_42 = tpu.matmul %max3A_37, %get3A_40, %dot_general3A_41 {dimension_numbers = #tpu.dot_dimension_numbers<[1], [0], [0], [1], [0, 0, 1, 1], [], []>, transpose_lhs_hint = false} : vector<512x128xf32>, vector<128x256xf32>, vector<512x256xf32> -> vector<512x256xf32>
    %swap3A = arith.constant 0 : index
    %swap3A_43 = arith.constant 0 : index
    %swap3A_44 = vector.load %arg8[%swap3A, %swap3A_43] : memref<512x256xf32, #tpu.memory_space<vmem>>, vector<512x256xf32>
    tpu.vector_store %arg8[%swap3A, %swap3A_43], %dot_general3A_42 {strides = array<i32>} : memref<512x256xf32, #tpu.memory_space<vmem>>, vector<512x256xf32>,
    return
  }
  func.func @transform_0(%arg0: i32) -> (i32, i32) {
    %c0_i32 = arith.constant 0 : i32
    %c0_i32_0 = arith.constant 0 : i32
    return %arg0, %c0_i32 : i32, i32
  }
  func.func @transform_1(%arg0: i32) -> (i32, i32) {
    %c1_i32 = arith.constant 1 : i32
    %c0_i32 = arith.constant 0 : i32
    %c0_i32_0 = arith.constant 0 : i32
    return %c1_i32, %c0_i32 : i32, i32
  }
  func.func @transform_2(%arg0: i32) -> (i32, i32) {
    %add3A = arith.constant 2 : i32
    %add3A_0 = arith.addi %add3A, %arg0 : i32
    %c0_i32 = arith.constant 0 : i32
    %c0_i32_1 = arith.constant 0 : i32
    return %add3A_0, %c0_i32 : i32, i32
  }
  func.func @transform_3(%arg0: i32) -> (i32, i32) {
    %c0_i32 = arith.constant 0 : i32
    %c1_i32 = arith.constant 1 : i32
    %c0_i32_0 = arith.constant 0 : i32
    return %c0_i32, %c1_i32 : i32, i32
  }
  func.func @transform_4(%arg0: i32) -> (i32, i32) {
    %c0_i32 = arith.constant 0 : i32
    %c0_i32_0 = arith.constant 0 : i32
    return %c0_i32, %arg0 : i32, i32
  }
  func.func @transform_5(%arg0: i32) -> (i32, i32) {
    %c2_i32 = arith.constant 2 : i32
    %c0_i32 = arith.constant 0 : i32
    %c0_i32_0 = arith.constant 0 : i32
    return %c2_i32, %c0_i32 : i32, i32
  }
  func.func @transform_6(%arg0: i32) -> (i32, i32) {
    %c0_i32 = arith.constant 0 : i32
    %c0_i32_0 = arith.constant 0 : i32
    %c0_i32_1 = arith.constant 0 : i32
    return %c0_i32, %c0_i32_0 : i32, i32
  }
  func.func @transform_7(%arg0: i32) -> (i32, i32) {
    %c0_i32 = arith.constant 0 : i32
    %c0_i32_0 = arith.constant 0 : i32
    return %arg0, %c0_i32 : i32, i32
  }
}

module attributes {stable_mosaic.version = 14 : i64} {
  func.func @body(%arg0: i32, %arg1: memref<512x2048xf32, #tpu.memory_space<vmem>>, %arg2: memref<2048x256xf32, #tpu.memory_space<vmem>>, %arg3: memref<512x1xf32, #tpu.memory_space<vmem>>, %arg4: memref<1x2048xf32, #tpu.memory_space<vmem>>, %arg5: memref<2048x512xf32, #tpu.memory_space<vmem>>, %arg6: memref<2048x256xf32, #tpu.memory_space<vmem>>, %arg7: memref<512x1024xf32, #tpu.memory_space<vmem>>, %arg8: memref<1024x256xf32, #tpu.memory_space<vmem>>, %arg9: memref<256x512xf32, #tpu.memory_space<vmem>>, %arg10: memref<512x512xf32, #tpu.memory_space<vmem>>) attributes {dimension_semantics = [#tpu.dimension_semantics<arbitrary>], iteration_bounds = array<i64: 4>, scalar_prefetch = 0 : i64, scratch_operands = 0 : i64, tpu.core_type = #tpu.core_type<tc>, window_params = [{transform_indices = @transform_0, window_bounds = array<i64: 512, 2048>}, {pipeline_mode = #tpu.pipeline_mode<synchronous>, transform_indices = @transform_1, window_bounds = array<i64: 2048, 256>}, {transform_indices = @transform_2, window_bounds = array<i64: 512, 1>}, {pipeline_mode = #tpu.pipeline_mode<synchronous>, transform_indices = @transform_3, window_bounds = array<i64: 1, 2048>}, {transform_indices = @transform_4, window_bounds = array<i64: 2048, 512>}, {pipeline_mode = #tpu.pipeline_mode<synchronous>, transform_indices = @transform_5, window_bounds = array<i64: 2048, 256>}, {transform_indices = @transform_6, window_bounds = array<i64: 512, 1024>}, {pipeline_mode = #tpu.pipeline_mode<synchronous>, transform_indices = @transform_7, window_bounds = array<i64: 1024, 256>}, {pipeline_mode = #tpu.pipeline_mode<synchronous>, transform_indices = @transform_8, window_bounds = array<i64: 256, 512>}, {transform_indices = @transform_9, window_bounds = array<i64: 512, 512>}]} {
    %get3A = arith.constant 0 : index
    %get3A_0 = arith.constant 0 : index
    %get3A_1 = vector.load %arg3[%get3A, %get3A_0] : memref<512x1xf32, #tpu.memory_space<vmem>>, vector<512x1xf32>
    %get3A_2 = arith.constant 0 : index
    %get3A_3 = arith.constant 0 : index
    %get3A_4 = vector.load %arg4[%get3A_2, %get3A_3] : memref<1x2048xf32, #tpu.memory_space<vmem>>, vector<1x2048xf32>
    %add3A = vector.broadcast %get3A_1 : vector<512x1xf32> to vector<512x2048xf32>
    %add3A_5 = vector.broadcast %get3A_4 : vector<1x2048xf32> to vector<512x2048xf32>
    %add3A_6 = arith.addf %add3A, %add3A_5 : vector<512x2048xf32>
    %ge3A = arith.constant 0.000000e+00 : f32
    %ge3A_7 = vector.broadcast %ge3A : f32 to vector<512x2048xf32>
    %ge3A_8 = arith.cmpf oge, %add3A_6, %ge3A_7 : vector<512x2048xf32>
    %mul3A = arith.constant 2.000000e-01 : f32
    %mul3A_9 = vector.broadcast %mul3A : f32 to vector<512x2048xf32>
    %mul3A_10 = arith.mulf %mul3A_9, %add3A_6 : vector<512x2048xf32>
    %select_n3A = arith.select %ge3A_8, %add3A_6, %mul3A_10 : vector<512x2048xi1>, vector<512x2048xf32>
    %get3A_11 = arith.constant 0 : index
    %get3A_12 = arith.constant 0 : index
    %get3A_13 = vector.load %arg1[%get3A_11, %get3A_12] : memref<512x2048xf32, #tpu.memory_space<vmem>>, vector<512x2048xf32>
    %ne3A = arith.constant 0.000000e+00 : f32
    %ne3A_14 = vector.broadcast %ne3A : f32 to vector<512x2048xf32>
    %ne3A_15 = arith.cmpf one, %get3A_13, %ne3A_14 : vector<512x2048xf32>
    %jit3A = arith.constant -1.000000e+09 : f32
    %broadcast_in_dim3A = vector.broadcast %jit3A : f32 to vector<512x2048xf32>
    %select_n3A_16 = arith.select %ne3A_15, %select_n3A, %broadcast_in_dim3A : vector<512x2048xi1>, vector<512x2048xf32>
    %reduce_max3A = arith.constant dense<0xFF800000> : vector<512xf32>
    %reduce_max3A_17 = vector.multi_reduction <maximumf>, %select_n3A_16, %reduce_max3A [1] : vector<512x2048xf32> to vector<512xf32>
    %broadcast_in_dim3A_18 = vector.shape_cast %reduce_max3A_17 : vector<512xf32> to vector<512x1xf32>
    %sub3A = vector.broadcast %broadcast_in_dim3A_18 : vector<512x1xf32> to vector<512x2048xf32>
    %sub3A_19 = arith.subf %select_n3A_16, %sub3A : vector<512x2048xf32>
    %exp3A = math.exp %sub3A_19 : vector<512x2048xf32>
    %reduce_sum3A = arith.constant dense<0.000000e+00> : vector<512xf32>
    %reduce_sum3A_20 = vector.multi_reduction <add>, %exp3A, %reduce_sum3A [1] : vector<512x2048xf32> to vector<512xf32>
    %broadcast_in_dim3A_21 = vector.shape_cast %reduce_sum3A_20 : vector<512xf32> to vector<512x1xf32>
    %get3A_22 = arith.constant 0 : index
    %get3A_23 = arith.constant 0 : index
    %get3A_24 = vector.load %arg2[%get3A_22, %get3A_23] : memref<2048x256xf32, #tpu.memory_space<vmem>>, vector<2048x256xf32>
    %dot_general3A = arith.constant dense<0.000000e+00> : vector<512x256xf32>
    %dot_general3A_25 = tpu.matmul %exp3A, %get3A_24, %dot_general3A {dimension_numbers = #tpu.dot_dimension_numbers<[1], [0], [0], [1], [0, 0, 1, 1], [], []>, transpose_lhs_hint = false} : vector<512x2048xf32>, vector<2048x256xf32>, vector<512x256xf32> -> vector<512x256xf32>
    %div3A = vector.broadcast %broadcast_in_dim3A_21 : vector<512x1xf32> to vector<512x256xf32>
    %div3A_26 = arith.divf %dot_general3A_25, %div3A : vector<512x256xf32>
    %get3A_27 = arith.constant 0 : index
    %get3A_28 = arith.constant 0 : index
    %get3A_29 = vector.load %arg5[%get3A_27, %get3A_28] : memref<2048x512xf32, #tpu.memory_space<vmem>>, vector<2048x512xf32>
    %get3A_30 = arith.constant 0 : index
    %get3A_31 = arith.constant 0 : index
    %get3A_32 = vector.load %arg6[%get3A_30, %get3A_31] : memref<2048x256xf32, #tpu.memory_space<vmem>>, vector<2048x256xf32>
    %dot_general3A_33 = arith.constant dense<0.000000e+00> : vector<512x256xf32>
    %dot_general3A_34 = tpu.matmul %get3A_29, %get3A_32, %dot_general3A_33 {dimension_numbers = #tpu.dot_dimension_numbers<[0], [0], [1], [1], [0, 1, 1, 1], [], []>, transpose_lhs_hint = false} : vector<2048x512xf32>, vector<2048x256xf32>, vector<512x256xf32> -> vector<512x256xf32>
    %add3A_35 = arith.addf %div3A_26, %dot_general3A_34 : vector<512x256xf32>
    %get3A_36 = arith.constant 0 : index
    %get3A_37 = arith.constant 0 : index
    %get3A_38 = vector.load %arg7[%get3A_36, %get3A_37] : memref<512x1024xf32, #tpu.memory_space<vmem>>, vector<512x1024xf32>
    %get3A_39 = arith.constant 0 : index
    %get3A_40 = arith.constant 0 : index
    %get3A_41 = vector.load %arg8[%get3A_39, %get3A_40] : memref<1024x256xf32, #tpu.memory_space<vmem>>, vector<1024x256xf32>
    %dot_general3A_42 = arith.constant dense<0.000000e+00> : vector<512x256xf32>
    %dot_general3A_43 = tpu.matmul %get3A_38, %get3A_41, %dot_general3A_42 {dimension_numbers = #tpu.dot_dimension_numbers<[1], [0], [0], [1], [0, 0, 1, 1], [], []>, transpose_lhs_hint = false} : vector<512x1024xf32>, vector<1024x256xf32>, vector<512x256xf32> -> vector<512x256xf32>
    %add3A_44 = arith.addf %add3A_35, %dot_general3A_43 : vector<512x256xf32>
    %max3A = arith.constant 0.000000e+00 : f32
    %max3A_45 = vector.broadcast %max3A : f32 to vector<512x256xf32>
    %max3A_46 = arith.maximumf %add3A_44, %max3A_45 : vector<512x256xf32>
    %get3A_47 = arith.constant 0 : index
    %get3A_48 = arith.constant 0 : index
    %get3A_49 = vector.load %arg9[%get3A_47, %get3A_48] : memref<256x512xf32, #tpu.memory_space<vmem>>, vector<256x512xf32>
    %dot_general3A_50 = arith.constant dense<0.000000e+00> : vector<512x512xf32>
    %dot_general3A_51 = tpu.matmul %max3A_46, %get3A_49, %dot_general3A_50 {dimension_numbers = #tpu.dot_dimension_numbers<[1], [0], [0], [1], [0, 0, 1, 1], [], []>, transpose_lhs_hint = false} : vector<512x256xf32>, vector<256x512xf32>, vector<512x512xf32> -> vector<512x512xf32>
    %swap3A = arith.constant 0 : index
    %swap3A_52 = arith.constant 0 : index
    %swap3A_53 = vector.load %arg10[%swap3A, %swap3A_52] : memref<512x512xf32, #tpu.memory_space<vmem>>, vector<512x512xf32>
    tpu.vector_store %arg10[%swap3A, %swap3A_52], %dot_general3A_51 {strides = array<i32>} : memref<512x512xf32, #tpu.memory_space<vmem>>, vector<512x512xf32>,
    return
  }
  func.func @transform_0(%arg0: i32) -> (i32, i32) {
    %c0_i32 = arith.constant 0 : i32
    %c0_i32_0 = arith.constant 0 : i32
    return %arg0, %c0_i32 : i32, i32
  }
  func.func @transform_1(%arg0: i32) -> (i32, i32) {
    %c0_i32 = arith.constant 0 : i32
    %c0_i32_0 = arith.constant 0 : i32
    %c0_i32_1 = arith.constant 0 : i32
    return %c0_i32, %c0_i32_0 : i32, i32
  }
  func.func @transform_2(%arg0: i32) -> (i32, i32) {
    %add3A = arith.constant 0 : i32
    %add3A_0 = arith.addi %add3A, %arg0 : i32
    %c0_i32 = arith.constant 0 : i32
    %c0_i32_1 = arith.constant 0 : i32
    return %add3A_0, %c0_i32 : i32, i32
  }
  func.func @transform_3(%arg0: i32) -> (i32, i32) {
    %c0_i32 = arith.constant 0 : i32
    %c0_i32_0 = arith.constant 0 : i32
    %c0_i32_1 = arith.constant 0 : i32
    return %c0_i32, %c0_i32_0 : i32, i32
  }
  func.func @transform_4(%arg0: i32) -> (i32, i32) {
    %c0_i32 = arith.constant 0 : i32
    %c0_i32_0 = arith.constant 0 : i32
    return %c0_i32, %arg0 : i32, i32
  }
  func.func @transform_5(%arg0: i32) -> (i32, i32) {
    %c0_i32 = arith.constant 0 : i32
    %c0_i32_0 = arith.constant 0 : i32
    %c0_i32_1 = arith.constant 0 : i32
    return %c0_i32, %c0_i32_0 : i32, i32
  }
  func.func @transform_6(%arg0: i32) -> (i32, i32) {
    %c0_i32 = arith.constant 0 : i32
    %c0_i32_0 = arith.constant 0 : i32
    return %arg0, %c0_i32 : i32, i32
  }
  func.func @transform_7(%arg0: i32) -> (i32, i32) {
    %c0_i32 = arith.constant 0 : i32
    %c0_i32_0 = arith.constant 0 : i32
    %c0_i32_1 = arith.constant 0 : i32
    return %c0_i32, %c0_i32_0 : i32, i32
  }
  func.func @transform_8(%arg0: i32) -> (i32, i32) {
    %c0_i32 = arith.constant 0 : i32
    %c0_i32_0 = arith.constant 0 : i32
    %c0_i32_1 = arith.constant 0 : i32
    return %c0_i32, %c0_i32_0 : i32, i32
  }
  func.func @transform_9(%arg0: i32) -> (i32, i32) {
    %c0_i32 = arith.constant 0 : i32
    %c0_i32_0 = arith.constant 0 : i32
    return %arg0, %c0_i32 : i32, i32
  }
}

module attributes {stable_mosaic.version = 14 : i64} {
  func.func @body(%arg0: i32, %arg1: memref<512x2048xf32, #tpu.memory_space<vmem>>, %arg2: memref<2048x256xf32, #tpu.memory_space<vmem>>, %arg3: memref<512x1xf32, #tpu.memory_space<vmem>>, %arg4: memref<1x2048xf32, #tpu.memory_space<vmem>>, %arg5: memref<1024x512xf32, #tpu.memory_space<vmem>>, %arg6: memref<1024x256xf32, #tpu.memory_space<vmem>>, %arg7: memref<512x2048xf32, #tpu.memory_space<vmem>>, %arg8: memref<2048x256xf32, #tpu.memory_space<vmem>>, %arg9: memref<256x512xf32, #tpu.memory_space<vmem>>, %arg10: memref<256x512xf32, #tpu.memory_space<vmem>>, %arg11: memref<1x512xf32, #tpu.memory_space<vmem>>, %arg12: memref<1x512xf32, #tpu.memory_space<vmem>>, %arg13: memref<512x512xf32, #tpu.memory_space<vmem>>, %arg14: memref<512x512xf32, #tpu.memory_space<vmem>>, %arg15: memref<512x1xf32, #tpu.memory_space<vmem>>, %arg16: memref<1x512xf32, #tpu.memory_space<vmem>>) attributes {dimension_semantics = [#tpu.dimension_semantics<arbitrary>], iteration_bounds = array<i64: 4>, scalar_prefetch = 0 : i64, scratch_operands = 0 : i64, tpu.core_type = #tpu.core_type<tc>, window_params = [{transform_indices = @transform_0, window_bounds = array<i64: 512, 2048>}, {pipeline_mode = #tpu.pipeline_mode<synchronous>, transform_indices = @transform_1, window_bounds = array<i64: 2048, 256>}, {transform_indices = @transform_2, window_bounds = array<i64: 512, 1>}, {pipeline_mode = #tpu.pipeline_mode<synchronous>, transform_indices = @transform_3, window_bounds = array<i64: 1, 2048>}, {transform_indices = @transform_4, window_bounds = array<i64: 1024, 512>}, {pipeline_mode = #tpu.pipeline_mode<synchronous>, transform_indices = @transform_5, window_bounds = array<i64: 1024, 256>}, {transform_indices = @transform_6, window_bounds = array<i64: 512, 2048>}, {pipeline_mode = #tpu.pipeline_mode<synchronous>, transform_indices = @transform_7, window_bounds = array<i64: 2048, 256>}, {pipeline_mode = #tpu.pipeline_mode<synchronous>, transform_indices = @transform_8, window_bounds = array<i64: 256, 512>}, {pipeline_mode = #tpu.pipeline_mode<synchronous>, transform_indices = @transform_9, window_bounds = array<i64: 256, 512>}, {pipeline_mode = #tpu.pipeline_mode<synchronous>, transform_indices = @transform_10, window_bounds = array<i64: 1, 512>}, {pipeline_mode = #tpu.pipeline_mode<synchronous>, transform_indices = @transform_11, window_bounds = array<i64: 1, 512>}, {transform_indices = @transform_12, window_bounds = array<i64: 512, 512>}, {transform_indices = @transform_13, window_bounds = array<i64: 512, 512>}, {transform_indices = @transform_14, window_bounds = array<i64: 512, 1>}, {transform_indices = @transform_15, window_bounds = array<i64: 1, 512>}]} {
    %get3A = arith.constant 0 : index
    %get3A_0 = arith.constant 0 : index
    %get3A_1 = vector.load %arg3[%get3A, %get3A_0] : memref<512x1xf32, #tpu.memory_space<vmem>>, vector<512x1xf32>
    %get3A_2 = arith.constant 0 : index
    %get3A_3 = arith.constant 0 : index
    %get3A_4 = vector.load %arg4[%get3A_2, %get3A_3] : memref<1x2048xf32, #tpu.memory_space<vmem>>, vector<1x2048xf32>
    %add3A = vector.broadcast %get3A_1 : vector<512x1xf32> to vector<512x2048xf32>
    %add3A_5 = vector.broadcast %get3A_4 : vector<1x2048xf32> to vector<512x2048xf32>
    %add3A_6 = arith.addf %add3A, %add3A_5 : vector<512x2048xf32>
    %ge3A = arith.constant 0.000000e+00 : f32
    %ge3A_7 = vector.broadcast %ge3A : f32 to vector<512x2048xf32>
    %ge3A_8 = arith.cmpf oge, %add3A_6, %ge3A_7 : vector<512x2048xf32>
    %mul3A = arith.constant 2.000000e-01 : f32
    %mul3A_9 = vector.broadcast %mul3A : f32 to vector<512x2048xf32>
    %mul3A_10 = arith.mulf %mul3A_9, %add3A_6 : vector<512x2048xf32>
    %select_n3A = arith.select %ge3A_8, %add3A_6, %mul3A_10 : vector<512x2048xi1>, vector<512x2048xf32>
    %get3A_11 = arith.constant 0 : index
    %get3A_12 = arith.constant 0 : index
    %get3A_13 = vector.load %arg1[%get3A_11, %get3A_12] : memref<512x2048xf32, #tpu.memory_space<vmem>>, vector<512x2048xf32>
    %ne3A = arith.constant 0.000000e+00 : f32
    %ne3A_14 = vector.broadcast %ne3A : f32 to vector<512x2048xf32>
    %ne3A_15 = arith.cmpf one, %get3A_13, %ne3A_14 : vector<512x2048xf32>
    %jit3A = arith.constant -1.000000e+09 : f32
    %broadcast_in_dim3A = vector.broadcast %jit3A : f32 to vector<512x2048xf32>
    %select_n3A_16 = arith.select %ne3A_15, %select_n3A, %broadcast_in_dim3A : vector<512x2048xi1>, vector<512x2048xf32>
    %reduce_max3A = arith.constant dense<0xFF800000> : vector<512xf32>
    %reduce_max3A_17 = vector.multi_reduction <maximumf>, %select_n3A_16, %reduce_max3A [1] : vector<512x2048xf32> to vector<512xf32>
    %broadcast_in_dim3A_18 = vector.shape_cast %reduce_max3A_17 : vector<512xf32> to vector<512x1xf32>
    %sub3A = vector.broadcast %broadcast_in_dim3A_18 : vector<512x1xf32> to vector<512x2048xf32>
    %sub3A_19 = arith.subf %select_n3A_16, %sub3A : vector<512x2048xf32>
    %exp3A = math.exp %sub3A_19 : vector<512x2048xf32>
    %reduce_sum3A = arith.constant dense<0.000000e+00> : vector<512xf32>
    %reduce_sum3A_20 = vector.multi_reduction <add>, %exp3A, %reduce_sum3A [1] : vector<512x2048xf32> to vector<512xf32>
    %broadcast_in_dim3A_21 = vector.shape_cast %reduce_sum3A_20 : vector<512xf32> to vector<512x1xf32>
    %get3A_22 = arith.constant 0 : index
    %get3A_23 = arith.constant 0 : index
    %get3A_24 = vector.load %arg2[%get3A_22, %get3A_23] : memref<2048x256xf32, #tpu.memory_space<vmem>>, vector<2048x256xf32>
    %dot_general3A = arith.constant dense<0.000000e+00> : vector<512x256xf32>
    %dot_general3A_25 = tpu.matmul %exp3A, %get3A_24, %dot_general3A {dimension_numbers = #tpu.dot_dimension_numbers<[1], [0], [0], [1], [0, 0, 1, 1], [], []>, transpose_lhs_hint = false} : vector<512x2048xf32>, vector<2048x256xf32>, vector<512x256xf32> -> vector<512x256xf32>
    %div3A = vector.broadcast %broadcast_in_dim3A_21 : vector<512x1xf32> to vector<512x256xf32>
    %div3A_26 = arith.divf %dot_general3A_25, %div3A : vector<512x256xf32>
    %get3A_27 = arith.constant 0 : index
    %get3A_28 = arith.constant 0 : index
    %get3A_29 = vector.load %arg5[%get3A_27, %get3A_28] : memref<1024x512xf32, #tpu.memory_space<vmem>>, vector<1024x512xf32>
    %get3A_30 = arith.constant 0 : index
    %get3A_31 = arith.constant 0 : index
    %get3A_32 = vector.load %arg6[%get3A_30, %get3A_31] : memref<1024x256xf32, #tpu.memory_space<vmem>>, vector<1024x256xf32>
    %dot_general3A_33 = arith.constant dense<0.000000e+00> : vector<512x256xf32>
    %dot_general3A_34 = tpu.matmul %get3A_29, %get3A_32, %dot_general3A_33 {dimension_numbers = #tpu.dot_dimension_numbers<[0], [0], [1], [1], [0, 1, 1, 1], [], []>, transpose_lhs_hint = false} : vector<1024x512xf32>, vector<1024x256xf32>, vector<512x256xf32> -> vector<512x256xf32>
    %add3A_35 = arith.addf %div3A_26, %dot_general3A_34 : vector<512x256xf32>
    %get3A_36 = arith.constant 0 : index
    %get3A_37 = arith.constant 0 : index
    %get3A_38 = vector.load %arg7[%get3A_36, %get3A_37] : memref<512x2048xf32, #tpu.memory_space<vmem>>, vector<512x2048xf32>
    %get3A_39 = arith.constant 0 : index
    %get3A_40 = arith.constant 0 : index
    %get3A_41 = vector.load %arg8[%get3A_39, %get3A_40] : memref<2048x256xf32, #tpu.memory_space<vmem>>, vector<2048x256xf32>
    %dot_general3A_42 = arith.constant dense<0.000000e+00> : vector<512x256xf32>
    %dot_general3A_43 = tpu.matmul %get3A_38, %get3A_41, %dot_general3A_42 {dimension_numbers = #tpu.dot_dimension_numbers<[1], [0], [0], [1], [0, 0, 1, 1], [], []>, transpose_lhs_hint = false} : vector<512x2048xf32>, vector<2048x256xf32>, vector<512x256xf32> -> vector<512x256xf32>
    %add3A_44 = arith.addf %add3A_35, %dot_general3A_43 : vector<512x256xf32>
    %max3A = arith.constant 0.000000e+00 : f32
    %max3A_45 = vector.broadcast %max3A : f32 to vector<512x256xf32>
    %max3A_46 = arith.maximumf %add3A_44, %max3A_45 : vector<512x256xf32>
    %get3A_47 = arith.constant 0 : index
    %get3A_48 = arith.constant 0 : index
    %get3A_49 = vector.load %arg9[%get3A_47, %get3A_48] : memref<256x512xf32, #tpu.memory_space<vmem>>, vector<256x512xf32>
    %dot_general3A_50 = arith.constant dense<0.000000e+00> : vector<512x512xf32>
    %dot_general3A_51 = tpu.matmul %max3A_46, %get3A_49, %dot_general3A_50 {dimension_numbers = #tpu.dot_dimension_numbers<[1], [0], [0], [1], [0, 0, 1, 1], [], []>, transpose_lhs_hint = false} : vector<512x256xf32>, vector<256x512xf32>, vector<512x512xf32> -> vector<512x512xf32>
    %swap3A = arith.constant 0 : index
    %swap3A_52 = arith.constant 0 : index
    %swap3A_53 = vector.load %arg13[%swap3A, %swap3A_52] : memref<512x512xf32, #tpu.memory_space<vmem>>, vector<512x512xf32>
    tpu.vector_store %arg13[%swap3A, %swap3A_52], %dot_general3A_51 {strides = array<i32>} : memref<512x512xf32, #tpu.memory_space<vmem>>, vector<512x512xf32>,
    %get3A_54 = arith.constant 0 : index
    %get3A_55 = arith.constant 0 : index
    %get3A_56 = vector.load %arg11[%get3A_54, %get3A_55] : memref<1x512xf32, #tpu.memory_space<vmem>>, vector<1x512xf32>
    %dot_general3A_57 = arith.constant dense<0.000000e+00> : vector<512x1xf32>
    %dot_general3A_58 = tpu.matmul %dot_general3A_51, %get3A_56, %dot_general3A_57 {dimension_numbers = #tpu.dot_dimension_numbers<[1], [1], [0], [0], [0, 0, 1, 0], [], []>, transpose_lhs_hint = false} : vector<512x512xf32>, vector<1x512xf32>, vector<512x1xf32> -> vector<512x1xf32>
    %swap3A_59 = arith.constant 0 : index
    %swap3A_60 = arith.constant 0 : index
    %swap3A_61 = vector.load %arg15[%swap3A_59, %swap3A_60] : memref<512x1xf32, #tpu.memory_space<vmem>>, vector<512x1xf32>
    tpu.vector_store %arg15[%swap3A_59, %swap3A_60], %dot_general3A_58 {strides = array<i32>} : memref<512x1xf32, #tpu.memory_space<vmem>>, vector<512x1xf32>,
    %get3A_62 = arith.constant 0 : index
    %get3A_63 = arith.constant 0 : index
    %get3A_64 = vector.load %arg12[%get3A_62, %get3A_63] : memref<1x512xf32, #tpu.memory_space<vmem>>, vector<1x512xf32>
    %dot_general3A_65 = arith.constant dense<0.000000e+00> : vector<1x512xf32>
    %dot_general3A_66 = tpu.matmul %get3A_64, %dot_general3A_51, %dot_general3A_65 {dimension_numbers = #tpu.dot_dimension_numbers<[1], [1], [0], [0], [0, 0, 1, 0], [], []>, transpose_lhs_hint = false} : vector<1x512xf32>, vector<512x512xf32>, vector<1x512xf32> -> vector<1x512xf32>
    %swap3A_67 = arith.constant 0 : index
    %swap3A_68 = arith.constant 0 : index
    %swap3A_69 = vector.load %arg16[%swap3A_67, %swap3A_68] : memref<1x512xf32, #tpu.memory_space<vmem>>, vector<1x512xf32>
    tpu.vector_store %arg16[%swap3A_67, %swap3A_68], %dot_general3A_66 {strides = array<i32>} : memref<1x512xf32, #tpu.memory_space<vmem>>, vector<1x512xf32>,
    %get3A_70 = arith.constant 0 : index
    %get3A_71 = arith.constant 0 : index
    %get3A_72 = vector.load %arg10[%get3A_70, %get3A_71] : memref<256x512xf32, #tpu.memory_space<vmem>>, vector<256x512xf32>
    %dot_general3A_73 = arith.constant dense<0.000000e+00> : vector<512x512xf32>
    %dot_general3A_74 = tpu.matmul %max3A_46, %get3A_72, %dot_general3A_73 {dimension_numbers = #tpu.dot_dimension_numbers<[1], [0], [0], [1], [0, 0, 1, 1], [], []>, transpose_lhs_hint = false} : vector<512x256xf32>, vector<256x512xf32>, vector<512x512xf32> -> vector<512x512xf32>
    %swap3A_75 = arith.constant 0 : index
    %swap3A_76 = arith.constant 0 : index
    %swap3A_77 = vector.load %arg14[%swap3A_75, %swap3A_76] : memref<512x512xf32, #tpu.memory_space<vmem>>, vector<512x512xf32>
    tpu.vector_store %arg14[%swap3A_75, %swap3A_76], %dot_general3A_74 {strides = array<i32>} : memref<512x512xf32, #tpu.memory_space<vmem>>, vector<512x512xf32>,
    return
  }
  func.func @transform_0(%arg0: i32) -> (i32, i32) {
    %c0_i32 = arith.constant 0 : i32
    %c0_i32_0 = arith.constant 0 : i32
    return %arg0, %c0_i32 : i32, i32
  }
  func.func @transform_1(%arg0: i32) -> (i32, i32) {
    %c0_i32 = arith.constant 0 : i32
    %c0_i32_0 = arith.constant 0 : i32
    %c0_i32_1 = arith.constant 0 : i32
    return %c0_i32, %c0_i32_0 : i32, i32
  }
  func.func @transform_2(%arg0: i32) -> (i32, i32) {
    %add3A = arith.constant 0 : i32
    %add3A_0 = arith.addi %add3A, %arg0 : i32
    %c0_i32 = arith.constant 0 : i32
    %c0_i32_1 = arith.constant 0 : i32
    return %add3A_0, %c0_i32 : i32, i32
  }
  func.func @transform_3(%arg0: i32) -> (i32, i32) {
    %c0_i32 = arith.constant 0 : i32
    %c0_i32_0 = arith.constant 0 : i32
    %c0_i32_1 = arith.constant 0 : i32
    return %c0_i32, %c0_i32_0 : i32, i32
  }
  func.func @transform_4(%arg0: i32) -> (i32, i32) {
    %c0_i32 = arith.constant 0 : i32
    %c0_i32_0 = arith.constant 0 : i32
    return %c0_i32, %arg0 : i32, i32
  }
  func.func @transform_5(%arg0: i32) -> (i32, i32) {
    %c0_i32 = arith.constant 0 : i32
    %c0_i32_0 = arith.constant 0 : i32
    %c0_i32_1 = arith.constant 0 : i32
    return %c0_i32, %c0_i32_0 : i32, i32
  }
  func.func @transform_6(%arg0: i32) -> (i32, i32) {
    %c0_i32 = arith.constant 0 : i32
    %c0_i32_0 = arith.constant 0 : i32
    return %arg0, %c0_i32 : i32, i32
  }
  func.func @transform_7(%arg0: i32) -> (i32, i32) {
    %c0_i32 = arith.constant 0 : i32
    %c0_i32_0 = arith.constant 0 : i32
    %c0_i32_1 = arith.constant 0 : i32
    return %c0_i32, %c0_i32_0 : i32, i32
  }
  func.func @transform_8(%arg0: i32) -> (i32, i32) {
    %c0_i32 = arith.constant 0 : i32
    %c0_i32_0 = arith.constant 0 : i32
    %c0_i32_1 = arith.constant 0 : i32
    return %c0_i32, %c0_i32_0 : i32, i32
  }
  func.func @transform_9(%arg0: i32) -> (i32, i32) {
    %c0_i32 = arith.constant 0 : i32
    %c0_i32_0 = arith.constant 0 : i32
    %c0_i32_1 = arith.constant 0 : i32
    return %c0_i32, %c0_i32_0 : i32, i32
  }
  func.func @transform_10(%arg0: i32) -> (i32, i32) {
    %c0_i32 = arith.constant 0 : i32
    %c0_i32_0 = arith.constant 0 : i32
    %c0_i32_1 = arith.constant 0 : i32
    return %c0_i32, %c0_i32_0 : i32, i32
  }
  func.func @transform_11(%arg0: i32) -> (i32, i32) {
    %c0_i32 = arith.constant 0 : i32
    %c0_i32_0 = arith.constant 0 : i32
    %c0_i32_1 = arith.constant 0 : i32
    return %c0_i32, %c0_i32_0 : i32, i32
  }
  func.func @transform_12(%arg0: i32) -> (i32, i32) {
    %c0_i32 = arith.constant 0 : i32
    %c0_i32_0 = arith.constant 0 : i32
    return %arg0, %c0_i32 : i32, i32
  }
  func.func @transform_13(%arg0: i32) -> (i32, i32) {
    %c0_i32 = arith.constant 0 : i32
    %c0_i32_0 = arith.constant 0 : i32
    return %arg0, %c0_i32 : i32, i32
  }
  func.func @transform_14(%arg0: i32) -> (i32, i32) {
    %c0_i32 = arith.constant 0 : i32
    %c0_i32_0 = arith.constant 0 : i32
    return %arg0, %c0_i32 : i32, i32
  }
  func.func @transform_15(%arg0: i32) -> (i32, i32) {
    %c0_i32 = arith.constant 0 : i32
    %c0_i32_0 = arith.constant 0 : i32
    return %c0_i32, %arg0 : i32, i32
  }
}

module attributes {stable_mosaic.version = 14 : i64} {
  func.func @body(%arg0: i32, %arg1: memref<512x1024xf32, #tpu.memory_space<vmem>>, %arg2: memref<1024x256xf32, #tpu.memory_space<vmem>>, %arg3: memref<512x1xf32, #tpu.memory_space<vmem>>, %arg4: memref<1x1024xf32, #tpu.memory_space<vmem>>, %arg5: memref<512x2048xf32, #tpu.memory_space<vmem>>, %arg6: memref<2048x256xf32, #tpu.memory_space<vmem>>, %arg7: memref<256x512xf32, #tpu.memory_space<vmem>>, %arg8: memref<256x512xf32, #tpu.memory_space<vmem>>, %arg9: memref<1x512xf32, #tpu.memory_space<vmem>>, %arg10: memref<1x512xf32, #tpu.memory_space<vmem>>, %arg11: memref<512x512xf32, #tpu.memory_space<vmem>>, %arg12: memref<512x512xf32, #tpu.memory_space<vmem>>, %arg13: memref<512x1xf32, #tpu.memory_space<vmem>>, %arg14: memref<1x512xf32, #tpu.memory_space<vmem>>) attributes {dimension_semantics = [#tpu.dimension_semantics<arbitrary>], iteration_bounds = array<i64: 2>, scalar_prefetch = 0 : i64, scratch_operands = 0 : i64, tpu.core_type = #tpu.core_type<tc>, window_params = [{transform_indices = @transform_0, window_bounds = array<i64: 512, 1024>}, {pipeline_mode = #tpu.pipeline_mode<synchronous>, transform_indices = @transform_1, window_bounds = array<i64: 1024, 256>}, {transform_indices = @transform_2, window_bounds = array<i64: 512, 1>}, {pipeline_mode = #tpu.pipeline_mode<synchronous>, transform_indices = @transform_3, window_bounds = array<i64: 1, 1024>}, {transform_indices = @transform_4, window_bounds = array<i64: 512, 2048>}, {pipeline_mode = #tpu.pipeline_mode<synchronous>, transform_indices = @transform_5, window_bounds = array<i64: 2048, 256>}, {pipeline_mode = #tpu.pipeline_mode<synchronous>, transform_indices = @transform_6, window_bounds = array<i64: 256, 512>}, {pipeline_mode = #tpu.pipeline_mode<synchronous>, transform_indices = @transform_7, window_bounds = array<i64: 256, 512>}, {pipeline_mode = #tpu.pipeline_mode<synchronous>, transform_indices = @transform_8, window_bounds = array<i64: 1, 512>}, {pipeline_mode = #tpu.pipeline_mode<synchronous>, transform_indices = @transform_9, window_bounds = array<i64: 1, 512>}, {transform_indices = @transform_10, window_bounds = array<i64: 512, 512>}, {transform_indices = @transform_11, window_bounds = array<i64: 512, 512>}, {transform_indices = @transform_12, window_bounds = array<i64: 512, 1>}, {transform_indices = @transform_13, window_bounds = array<i64: 1, 512>}]} {
    %get3A = arith.constant 0 : index
    %get3A_0 = arith.constant 0 : index
    %get3A_1 = vector.load %arg3[%get3A, %get3A_0] : memref<512x1xf32, #tpu.memory_space<vmem>>, vector<512x1xf32>
    %get3A_2 = arith.constant 0 : index
    %get3A_3 = arith.constant 0 : index
    %get3A_4 = vector.load %arg4[%get3A_2, %get3A_3] : memref<1x1024xf32, #tpu.memory_space<vmem>>, vector<1x1024xf32>
    %add3A = vector.broadcast %get3A_1 : vector<512x1xf32> to vector<512x1024xf32>
    %add3A_5 = vector.broadcast %get3A_4 : vector<1x1024xf32> to vector<512x1024xf32>
    %add3A_6 = arith.addf %add3A, %add3A_5 : vector<512x1024xf32>
    %ge3A = arith.constant 0.000000e+00 : f32
    %ge3A_7 = vector.broadcast %ge3A : f32 to vector<512x1024xf32>
    %ge3A_8 = arith.cmpf oge, %add3A_6, %ge3A_7 : vector<512x1024xf32>
    %mul3A = arith.constant 2.000000e-01 : f32
    %mul3A_9 = vector.broadcast %mul3A : f32 to vector<512x1024xf32>
    %mul3A_10 = arith.mulf %mul3A_9, %add3A_6 : vector<512x1024xf32>
    %select_n3A = arith.select %ge3A_8, %add3A_6, %mul3A_10 : vector<512x1024xi1>, vector<512x1024xf32>
    %get3A_11 = arith.constant 0 : index
    %get3A_12 = arith.constant 0 : index
    %get3A_13 = vector.load %arg1[%get3A_11, %get3A_12] : memref<512x1024xf32, #tpu.memory_space<vmem>>, vector<512x1024xf32>
    %ne3A = arith.constant 0.000000e+00 : f32
    %ne3A_14 = vector.broadcast %ne3A : f32 to vector<512x1024xf32>
    %ne3A_15 = arith.cmpf one, %get3A_13, %ne3A_14 : vector<512x1024xf32>
    %jit3A = arith.constant -1.000000e+09 : f32
    %broadcast_in_dim3A = vector.broadcast %jit3A : f32 to vector<512x1024xf32>
    %select_n3A_16 = arith.select %ne3A_15, %select_n3A, %broadcast_in_dim3A : vector<512x1024xi1>, vector<512x1024xf32>
    %reduce_max3A = arith.constant dense<0xFF800000> : vector<512xf32>
    %reduce_max3A_17 = vector.multi_reduction <maximumf>, %select_n3A_16, %reduce_max3A [1] : vector<512x1024xf32> to vector<512xf32>
    %broadcast_in_dim3A_18 = vector.shape_cast %reduce_max3A_17 : vector<512xf32> to vector<512x1xf32>
    %sub3A = vector.broadcast %broadcast_in_dim3A_18 : vector<512x1xf32> to vector<512x1024xf32>
    %sub3A_19 = arith.subf %select_n3A_16, %sub3A : vector<512x1024xf32>
    %exp3A = math.exp %sub3A_19 : vector<512x1024xf32>
    %reduce_sum3A = arith.constant dense<0.000000e+00> : vector<512xf32>
    %reduce_sum3A_20 = vector.multi_reduction <add>, %exp3A, %reduce_sum3A [1] : vector<512x1024xf32> to vector<512xf32>
    %broadcast_in_dim3A_21 = vector.shape_cast %reduce_sum3A_20 : vector<512xf32> to vector<512x1xf32>
    %get3A_22 = arith.constant 0 : index
    %get3A_23 = arith.constant 0 : index
    %get3A_24 = vector.load %arg2[%get3A_22, %get3A_23] : memref<1024x256xf32, #tpu.memory_space<vmem>>, vector<1024x256xf32>
    %dot_general3A = arith.constant dense<0.000000e+00> : vector<512x256xf32>
    %dot_general3A_25 = tpu.matmul %exp3A, %get3A_24, %dot_general3A {dimension_numbers = #tpu.dot_dimension_numbers<[1], [0], [0], [1], [0, 0, 1, 1], [], []>, transpose_lhs_hint = false} : vector<512x1024xf32>, vector<1024x256xf32>, vector<512x256xf32> -> vector<512x256xf32>
    %div3A = vector.broadcast %broadcast_in_dim3A_21 : vector<512x1xf32> to vector<512x256xf32>
    %div3A_26 = arith.divf %dot_general3A_25, %div3A : vector<512x256xf32>
    %get3A_27 = arith.constant 0 : index
    %get3A_28 = arith.constant 0 : index
    %get3A_29 = vector.load %arg5[%get3A_27, %get3A_28] : memref<512x2048xf32, #tpu.memory_space<vmem>>, vector<512x2048xf32>
    %get3A_30 = arith.constant 0 : index
    %get3A_31 = arith.constant 0 : index
    %get3A_32 = vector.load %arg6[%get3A_30, %get3A_31] : memref<2048x256xf32, #tpu.memory_space<vmem>>, vector<2048x256xf32>
    %dot_general3A_33 = arith.constant dense<0.000000e+00> : vector<512x256xf32>
    %dot_general3A_34 = tpu.matmul %get3A_29, %get3A_32, %dot_general3A_33 {dimension_numbers = #tpu.dot_dimension_numbers<[1], [0], [0], [1], [0, 0, 1, 1], [], []>, transpose_lhs_hint = false} : vector<512x2048xf32>, vector<2048x256xf32>, vector<512x256xf32> -> vector<512x256xf32>
    %add3A_35 = arith.addf %div3A_26, %dot_general3A_34 : vector<512x256xf32>
    %max3A = arith.constant 0.000000e+00 : f32
    %max3A_36 = vector.broadcast %max3A : f32 to vector<512x256xf32>
    %max3A_37 = arith.maximumf %add3A_35, %max3A_36 : vector<512x256xf32>
    %get3A_38 = arith.constant 0 : index
    %get3A_39 = arith.constant 0 : index
    %get3A_40 = vector.load %arg7[%get3A_38, %get3A_39] : memref<256x512xf32, #tpu.memory_space<vmem>>, vector<256x512xf32>
    %dot_general3A_41 = arith.constant dense<0.000000e+00> : vector<512x512xf32>
    %dot_general3A_42 = tpu.matmul %max3A_37, %get3A_40, %dot_general3A_41 {dimension_numbers = #tpu.dot_dimension_numbers<[1], [0], [0], [1], [0, 0, 1, 1], [], []>, transpose_lhs_hint = false} : vector<512x256xf32>, vector<256x512xf32>, vector<512x512xf32> -> vector<512x512xf32>
    %swap3A = arith.constant 0 : index
    %swap3A_43 = arith.constant 0 : index
    %swap3A_44 = vector.load %arg11[%swap3A, %swap3A_43] : memref<512x512xf32, #tpu.memory_space<vmem>>, vector<512x512xf32>
    tpu.vector_store %arg11[%swap3A, %swap3A_43], %dot_general3A_42 {strides = array<i32>} : memref<512x512xf32, #tpu.memory_space<vmem>>, vector<512x512xf32>,
    %get3A_45 = arith.constant 0 : index
    %get3A_46 = arith.constant 0 : index
    %get3A_47 = vector.load %arg9[%get3A_45, %get3A_46] : memref<1x512xf32, #tpu.memory_space<vmem>>, vector<1x512xf32>
    %dot_general3A_48 = arith.constant dense<0.000000e+00> : vector<512x1xf32>
    %dot_general3A_49 = tpu.matmul %dot_general3A_42, %get3A_47, %dot_general3A_48 {dimension_numbers = #tpu.dot_dimension_numbers<[1], [1], [0], [0], [0, 0, 1, 0], [], []>, transpose_lhs_hint = false} : vector<512x512xf32>, vector<1x512xf32>, vector<512x1xf32> -> vector<512x1xf32>
    %swap3A_50 = arith.constant 0 : index
    %swap3A_51 = arith.constant 0 : index
    %swap3A_52 = vector.load %arg13[%swap3A_50, %swap3A_51] : memref<512x1xf32, #tpu.memory_space<vmem>>, vector<512x1xf32>
    tpu.vector_store %arg13[%swap3A_50, %swap3A_51], %dot_general3A_49 {strides = array<i32>} : memref<512x1xf32, #tpu.memory_space<vmem>>, vector<512x1xf32>,
    %get3A_53 = arith.constant 0 : index
    %get3A_54 = arith.constant 0 : index
    %get3A_55 = vector.load %arg10[%get3A_53, %get3A_54] : memref<1x512xf32, #tpu.memory_space<vmem>>, vector<1x512xf32>
    %dot_general3A_56 = arith.constant dense<0.000000e+00> : vector<1x512xf32>
    %dot_general3A_57 = tpu.matmul %get3A_55, %dot_general3A_42, %dot_general3A_56 {dimension_numbers = #tpu.dot_dimension_numbers<[1], [1], [0], [0], [0, 0, 1, 0], [], []>, transpose_lhs_hint = false} : vector<1x512xf32>, vector<512x512xf32>, vector<1x512xf32> -> vector<1x512xf32>
    %swap3A_58 = arith.constant 0 : index
    %swap3A_59 = arith.constant 0 : index
    %swap3A_60 = vector.load %arg14[%swap3A_58, %swap3A_59] : memref<1x512xf32, #tpu.memory_space<vmem>>, vector<1x512xf32>
    tpu.vector_store %arg14[%swap3A_58, %swap3A_59], %dot_general3A_57 {strides = array<i32>} : memref<1x512xf32, #tpu.memory_space<vmem>>, vector<1x512xf32>,
    %get3A_61 = arith.constant 0 : index
    %get3A_62 = arith.constant 0 : index
    %get3A_63 = vector.load %arg8[%get3A_61, %get3A_62] : memref<256x512xf32, #tpu.memory_space<vmem>>, vector<256x512xf32>
    %dot_general3A_64 = arith.constant dense<0.000000e+00> : vector<512x512xf32>
    %dot_general3A_65 = tpu.matmul %max3A_37, %get3A_63, %dot_general3A_64 {dimension_numbers = #tpu.dot_dimension_numbers<[1], [0], [0], [1], [0, 0, 1, 1], [], []>, transpose_lhs_hint = false} : vector<512x256xf32>, vector<256x512xf32>, vector<512x512xf32> -> vector<512x512xf32>
    %swap3A_66 = arith.constant 0 : index
    %swap3A_67 = arith.constant 0 : index
    %swap3A_68 = vector.load %arg12[%swap3A_66, %swap3A_67] : memref<512x512xf32, #tpu.memory_space<vmem>>, vector<512x512xf32>
    tpu.vector_store %arg12[%swap3A_66, %swap3A_67], %dot_general3A_65 {strides = array<i32>} : memref<512x512xf32, #tpu.memory_space<vmem>>, vector<512x512xf32>,
    return
  }
  func.func @transform_0(%arg0: i32) -> (i32, i32) {
    %c0_i32 = arith.constant 0 : i32
    %c0_i32_0 = arith.constant 0 : i32
    return %arg0, %c0_i32 : i32, i32
  }
  func.func @transform_1(%arg0: i32) -> (i32, i32) {
    %c0_i32 = arith.constant 0 : i32
    %c0_i32_0 = arith.constant 0 : i32
    %c0_i32_1 = arith.constant 0 : i32
    return %c0_i32, %c0_i32_0 : i32, i32
  }
  func.func @transform_2(%arg0: i32) -> (i32, i32) {
    %add3A = arith.constant 0 : i32
    %add3A_0 = arith.addi %add3A, %arg0 : i32
    %c0_i32 = arith.constant 0 : i32
    %c0_i32_1 = arith.constant 0 : i32
    return %add3A_0, %c0_i32 : i32, i32
  }
  func.func @transform_3(%arg0: i32) -> (i32, i32) {
    %c0_i32 = arith.constant 0 : i32
    %c0_i32_0 = arith.constant 0 : i32
    %c0_i32_1 = arith.constant 0 : i32
    return %c0_i32, %c0_i32_0 : i32, i32
  }
  func.func @transform_4(%arg0: i32) -> (i32, i32) {
    %c0_i32 = arith.constant 0 : i32
    %c0_i32_0 = arith.constant 0 : i32
    return %arg0, %c0_i32 : i32, i32
  }
  func.func @transform_5(%arg0: i32) -> (i32, i32) {
    %c0_i32 = arith.constant 0 : i32
    %c0_i32_0 = arith.constant 0 : i32
    %c0_i32_1 = arith.constant 0 : i32
    return %c0_i32, %c0_i32_0 : i32, i32
  }
  func.func @transform_6(%arg0: i32) -> (i32, i32) {
    %c0_i32 = arith.constant 0 : i32
    %c0_i32_0 = arith.constant 0 : i32
    %c0_i32_1 = arith.constant 0 : i32
    return %c0_i32, %c0_i32_0 : i32, i32
  }
  func.func @transform_7(%arg0: i32) -> (i32, i32) {
    %c0_i32 = arith.constant 0 : i32
    %c0_i32_0 = arith.constant 0 : i32
    %c0_i32_1 = arith.constant 0 : i32
    return %c0_i32, %c0_i32_0 : i32, i32
  }
  func.func @transform_8(%arg0: i32) -> (i32, i32) {
    %c0_i32 = arith.constant 0 : i32
    %c0_i32_0 = arith.constant 0 : i32
    %c0_i32_1 = arith.constant 0 : i32
    return %c0_i32, %c0_i32_0 : i32, i32
  }
  func.func @transform_9(%arg0: i32) -> (i32, i32) {
    %c0_i32 = arith.constant 0 : i32
    %c0_i32_0 = arith.constant 0 : i32
    %c0_i32_1 = arith.constant 0 : i32
    return %c0_i32, %c0_i32_0 : i32, i32
  }
  func.func @transform_10(%arg0: i32) -> (i32, i32) {
    %c0_i32 = arith.constant 0 : i32
    %c0_i32_0 = arith.constant 0 : i32
    return %arg0, %c0_i32 : i32, i32
  }
  func.func @transform_11(%arg0: i32) -> (i32, i32) {
    %c0_i32 = arith.constant 0 : i32
    %c0_i32_0 = arith.constant 0 : i32
    return %arg0, %c0_i32 : i32, i32
  }
  func.func @transform_12(%arg0: i32) -> (i32, i32) {
    %c0_i32 = arith.constant 0 : i32
    %c0_i32_0 = arith.constant 0 : i32
    return %arg0, %c0_i32 : i32, i32
  }
  func.func @transform_13(%arg0: i32) -> (i32, i32) {
    %c0_i32 = arith.constant 0 : i32
    %c0_i32_0 = arith.constant 0 : i32
    return %c0_i32, %arg0 : i32, i32
  }
}

module attributes {stable_mosaic.version = 14 : i64} {
  func.func @body(%arg0: i32, %arg1: memref<512x1024xf32, #tpu.memory_space<vmem>>, %arg2: memref<1024x512xf32, #tpu.memory_space<vmem>>, %arg3: memref<512x1xf32, #tpu.memory_space<vmem>>, %arg4: memref<1x1024xf32, #tpu.memory_space<vmem>>, %arg5: memref<512x2048xf32, #tpu.memory_space<vmem>>, %arg6: memref<2048x512xf32, #tpu.memory_space<vmem>>, %arg7: memref<512x1024xf32, #tpu.memory_space<vmem>>, %arg8: memref<1x1024xf32, #tpu.memory_space<vmem>>, %arg9: memref<1x1024xf32, #tpu.memory_space<vmem>>, %arg10: memref<512x1024xf32, #tpu.memory_space<vmem>>, %arg11: memref<512x1xf32, #tpu.memory_space<vmem>>, %arg12: memref<1x512xf32, #tpu.memory_space<vmem>>) attributes {dimension_semantics = [#tpu.dimension_semantics<arbitrary>], iteration_bounds = array<i64: 2>, scalar_prefetch = 0 : i64, scratch_operands = 0 : i64, tpu.core_type = #tpu.core_type<tc>, window_params = [{transform_indices = @transform_0, window_bounds = array<i64: 512, 1024>}, {pipeline_mode = #tpu.pipeline_mode<synchronous>, transform_indices = @transform_1, window_bounds = array<i64: 1024, 512>}, {transform_indices = @transform_2, window_bounds = array<i64: 512, 1>}, {pipeline_mode = #tpu.pipeline_mode<synchronous>, transform_indices = @transform_3, window_bounds = array<i64: 1, 1024>}, {transform_indices = @transform_4, window_bounds = array<i64: 512, 2048>}, {pipeline_mode = #tpu.pipeline_mode<synchronous>, transform_indices = @transform_5, window_bounds = array<i64: 2048, 512>}, {pipeline_mode = #tpu.pipeline_mode<synchronous>, transform_indices = @transform_6, window_bounds = array<i64: 512, 1024>}, {pipeline_mode = #tpu.pipeline_mode<synchronous>, transform_indices = @transform_7, window_bounds = array<i64: 1, 1024>}, {pipeline_mode = #tpu.pipeline_mode<synchronous>, transform_indices = @transform_8, window_bounds = array<i64: 1, 1024>}, {transform_indices = @transform_9, window_bounds = array<i64: 512, 1024>}, {transform_indices = @transform_10, window_bounds = array<i64: 512, 1>}, {transform_indices = @transform_11, window_bounds = array<i64: 1, 512>}]} {
    %get3A = arith.constant 0 : index
    %get3A_0 = arith.constant 0 : index
    %get3A_1 = vector.load %arg3[%get3A, %get3A_0] : memref<512x1xf32, #tpu.memory_space<vmem>>, vector<512x1xf32>
    %get3A_2 = arith.constant 0 : index
    %get3A_3 = arith.constant 0 : index
    %get3A_4 = vector.load %arg4[%get3A_2, %get3A_3] : memref<1x1024xf32, #tpu.memory_space<vmem>>, vector<1x1024xf32>
    %add3A = vector.broadcast %get3A_1 : vector<512x1xf32> to vector<512x1024xf32>
    %add3A_5 = vector.broadcast %get3A_4 : vector<1x1024xf32> to vector<512x1024xf32>
    %add3A_6 = arith.addf %add3A, %add3A_5 : vector<512x1024xf32>
    %ge3A = arith.constant 0.000000e+00 : f32
    %ge3A_7 = vector.broadcast %ge3A : f32 to vector<512x1024xf32>
    %ge3A_8 = arith.cmpf oge, %add3A_6, %ge3A_7 : vector<512x1024xf32>
    %mul3A = arith.constant 2.000000e-01 : f32
    %mul3A_9 = vector.broadcast %mul3A : f32 to vector<512x1024xf32>
    %mul3A_10 = arith.mulf %mul3A_9, %add3A_6 : vector<512x1024xf32>
    %select_n3A = arith.select %ge3A_8, %add3A_6, %mul3A_10 : vector<512x1024xi1>, vector<512x1024xf32>
    %get3A_11 = arith.constant 0 : index
    %get3A_12 = arith.constant 0 : index
    %get3A_13 = vector.load %arg1[%get3A_11, %get3A_12] : memref<512x1024xf32, #tpu.memory_space<vmem>>, vector<512x1024xf32>
    %ne3A = arith.constant 0.000000e+00 : f32
    %ne3A_14 = vector.broadcast %ne3A : f32 to vector<512x1024xf32>
    %ne3A_15 = arith.cmpf one, %get3A_13, %ne3A_14 : vector<512x1024xf32>
    %jit3A = arith.constant -1.000000e+09 : f32
    %broadcast_in_dim3A = vector.broadcast %jit3A : f32 to vector<512x1024xf32>
    %select_n3A_16 = arith.select %ne3A_15, %select_n3A, %broadcast_in_dim3A : vector<512x1024xi1>, vector<512x1024xf32>
    %reduce_max3A = arith.constant dense<0xFF800000> : vector<512xf32>
    %reduce_max3A_17 = vector.multi_reduction <maximumf>, %select_n3A_16, %reduce_max3A [1] : vector<512x1024xf32> to vector<512xf32>
    %broadcast_in_dim3A_18 = vector.shape_cast %reduce_max3A_17 : vector<512xf32> to vector<512x1xf32>
    %sub3A = vector.broadcast %broadcast_in_dim3A_18 : vector<512x1xf32> to vector<512x1024xf32>
    %sub3A_19 = arith.subf %select_n3A_16, %sub3A : vector<512x1024xf32>
    %exp3A = math.exp %sub3A_19 : vector<512x1024xf32>
    %reduce_sum3A = arith.constant dense<0.000000e+00> : vector<512xf32>
    %reduce_sum3A_20 = vector.multi_reduction <add>, %exp3A, %reduce_sum3A [1] : vector<512x1024xf32> to vector<512xf32>
    %broadcast_in_dim3A_21 = vector.shape_cast %reduce_sum3A_20 : vector<512xf32> to vector<512x1xf32>
    %get3A_22 = arith.constant 0 : index
    %get3A_23 = arith.constant 0 : index
    %get3A_24 = vector.load %arg2[%get3A_22, %get3A_23] : memref<1024x512xf32, #tpu.memory_space<vmem>>, vector<1024x512xf32>
    %dot_general3A = arith.constant dense<0.000000e+00> : vector<512x512xf32>
    %dot_general3A_25 = tpu.matmul %exp3A, %get3A_24, %dot_general3A {dimension_numbers = #tpu.dot_dimension_numbers<[1], [0], [0], [1], [0, 0, 1, 1], [], []>, transpose_lhs_hint = false} : vector<512x1024xf32>, vector<1024x512xf32>, vector<512x512xf32> -> vector<512x512xf32>
    %div3A = vector.broadcast %broadcast_in_dim3A_21 : vector<512x1xf32> to vector<512x512xf32>
    %div3A_26 = arith.divf %dot_general3A_25, %div3A : vector<512x512xf32>
    %get3A_27 = arith.constant 0 : index
    %get3A_28 = arith.constant 0 : index
    %get3A_29 = vector.load %arg5[%get3A_27, %get3A_28] : memref<512x2048xf32, #tpu.memory_space<vmem>>, vector<512x2048xf32>
    %get3A_30 = arith.constant 0 : index
    %get3A_31 = arith.constant 0 : index
    %get3A_32 = vector.load %arg6[%get3A_30, %get3A_31] : memref<2048x512xf32, #tpu.memory_space<vmem>>, vector<2048x512xf32>
    %dot_general3A_33 = arith.constant dense<0.000000e+00> : vector<512x512xf32>
    %dot_general3A_34 = tpu.matmul %get3A_29, %get3A_32, %dot_general3A_33 {dimension_numbers = #tpu.dot_dimension_numbers<[1], [0], [0], [1], [0, 0, 1, 1], [], []>, transpose_lhs_hint = false} : vector<512x2048xf32>, vector<2048x512xf32>, vector<512x512xf32> -> vector<512x512xf32>
    %add3A_35 = arith.addf %div3A_26, %dot_general3A_34 : vector<512x512xf32>
    %max3A = arith.constant 0.000000e+00 : f32
    %max3A_36 = vector.broadcast %max3A : f32 to vector<512x512xf32>
    %max3A_37 = arith.maximumf %add3A_35, %max3A_36 : vector<512x512xf32>
    %get3A_38 = arith.constant 0 : index
    %get3A_39 = arith.constant 0 : index
    %get3A_40 = vector.load %arg7[%get3A_38, %get3A_39] : memref<512x1024xf32, #tpu.memory_space<vmem>>, vector<512x1024xf32>
    %dot_general3A_41 = arith.constant dense<0.000000e+00> : vector<512x1024xf32>
    %dot_general3A_42 = tpu.matmul %max3A_37, %get3A_40, %dot_general3A_41 {dimension_numbers = #tpu.dot_dimension_numbers<[1], [0], [0], [1], [0, 0, 1, 1], [], []>, transpose_lhs_hint = false} : vector<512x512xf32>, vector<512x1024xf32>, vector<512x1024xf32> -> vector<512x1024xf32>
    %swap3A = arith.constant 0 : index
    %swap3A_43 = arith.constant 0 : index
    %swap3A_44 = vector.load %arg10[%swap3A, %swap3A_43] : memref<512x1024xf32, #tpu.memory_space<vmem>>, vector<512x1024xf32>
    tpu.vector_store %arg10[%swap3A, %swap3A_43], %dot_general3A_42 {strides = array<i32>} : memref<512x1024xf32, #tpu.memory_space<vmem>>, vector<512x1024xf32>,
    %get3A_45 = arith.constant 0 : index
    %get3A_46 = arith.constant 0 : index
    %get3A_47 = vector.load %arg8[%get3A_45, %get3A_46] : memref<1x1024xf32, #tpu.memory_space<vmem>>, vector<1x1024xf32>
    %dot_general3A_48 = arith.constant dense<0.000000e+00> : vector<512x1xf32>
    %dot_general3A_49 = tpu.matmul %dot_general3A_42, %get3A_47, %dot_general3A_48 {dimension_numbers = #tpu.dot_dimension_numbers<[1], [1], [0], [0], [0, 0, 1, 0], [], []>, transpose_lhs_hint = false} : vector<512x1024xf32>, vector<1x1024xf32>, vector<512x1xf32> -> vector<512x1xf32>
    %swap3A_50 = arith.constant 0 : index
    %swap3A_51 = arith.constant 0 : index
    %swap3A_52 = vector.load %arg11[%swap3A_50, %swap3A_51] : memref<512x1xf32, #tpu.memory_space<vmem>>, vector<512x1xf32>
    tpu.vector_store %arg11[%swap3A_50, %swap3A_51], %dot_general3A_49 {strides = array<i32>} : memref<512x1xf32, #tpu.memory_space<vmem>>, vector<512x1xf32>,
    %get3A_53 = arith.constant 0 : index
    %get3A_54 = arith.constant 0 : index
    %get3A_55 = vector.load %arg9[%get3A_53, %get3A_54] : memref<1x1024xf32, #tpu.memory_space<vmem>>, vector<1x1024xf32>
    %dot_general3A_56 = arith.constant dense<0.000000e+00> : vector<1x512xf32>
    %dot_general3A_57 = tpu.matmul %get3A_55, %dot_general3A_42, %dot_general3A_56 {dimension_numbers = #tpu.dot_dimension_numbers<[1], [1], [0], [0], [0, 0, 1, 0], [], []>, transpose_lhs_hint = false} : vector<1x1024xf32>, vector<512x1024xf32>, vector<1x512xf32> -> vector<1x512xf32>
    %swap3A_58 = arith.constant 0 : index
    %swap3A_59 = arith.constant 0 : index
    %swap3A_60 = vector.load %arg12[%swap3A_58, %swap3A_59] : memref<1x512xf32, #tpu.memory_space<vmem>>, vector<1x512xf32>
    tpu.vector_store %arg12[%swap3A_58, %swap3A_59], %dot_general3A_57 {strides = array<i32>} : memref<1x512xf32, #tpu.memory_space<vmem>>, vector<1x512xf32>,
    return
  }
  func.func @transform_0(%arg0: i32) -> (i32, i32) {
    %c0_i32 = arith.constant 0 : i32
    %c0_i32_0 = arith.constant 0 : i32
    return %arg0, %c0_i32 : i32, i32
  }
  func.func @transform_1(%arg0: i32) -> (i32, i32) {
    %c0_i32 = arith.constant 0 : i32
    %c0_i32_0 = arith.constant 0 : i32
    %c0_i32_1 = arith.constant 0 : i32
    return %c0_i32, %c0_i32_0 : i32, i32
  }
  func.func @transform_2(%arg0: i32) -> (i32, i32) {
    %add3A = arith.constant 0 : i32
    %add3A_0 = arith.addi %add3A, %arg0 : i32
    %c0_i32 = arith.constant 0 : i32
    %c0_i32_1 = arith.constant 0 : i32
    return %add3A_0, %c0_i32 : i32, i32
  }
  func.func @transform_3(%arg0: i32) -> (i32, i32) {
    %c0_i32 = arith.constant 0 : i32
    %c0_i32_0 = arith.constant 0 : i32
    %c0_i32_1 = arith.constant 0 : i32
    return %c0_i32, %c0_i32_0 : i32, i32
  }
  func.func @transform_4(%arg0: i32) -> (i32, i32) {
    %c0_i32 = arith.constant 0 : i32
    %c0_i32_0 = arith.constant 0 : i32
    return %arg0, %c0_i32 : i32, i32
  }
  func.func @transform_5(%arg0: i32) -> (i32, i32) {
    %c0_i32 = arith.constant 0 : i32
    %c0_i32_0 = arith.constant 0 : i32
    %c0_i32_1 = arith.constant 0 : i32
    return %c0_i32, %c0_i32_0 : i32, i32
  }
  func.func @transform_6(%arg0: i32) -> (i32, i32) {
    %c0_i32 = arith.constant 0 : i32
    %c0_i32_0 = arith.constant 0 : i32
    %c0_i32_1 = arith.constant 0 : i32
    return %c0_i32, %c0_i32_0 : i32, i32
  }
  func.func @transform_7(%arg0: i32) -> (i32, i32) {
    %c0_i32 = arith.constant 0 : i32
    %c0_i32_0 = arith.constant 0 : i32
    %c0_i32_1 = arith.constant 0 : i32
    return %c0_i32, %c0_i32_0 : i32, i32
  }
  func.func @transform_8(%arg0: i32) -> (i32, i32) {
    %c0_i32 = arith.constant 0 : i32
    %c0_i32_0 = arith.constant 0 : i32
    %c0_i32_1 = arith.constant 0 : i32
    return %c0_i32, %c0_i32_0 : i32, i32
  }
  func.func @transform_9(%arg0: i32) -> (i32, i32) {
    %c0_i32 = arith.constant 0 : i32
    %c0_i32_0 = arith.constant 0 : i32
    return %arg0, %c0_i32 : i32, i32
  }
  func.func @transform_10(%arg0: i32) -> (i32, i32) {
    %c0_i32 = arith.constant 0 : i32
    %c0_i32_0 = arith.constant 0 : i32
    return %arg0, %c0_i32 : i32, i32
  }
  func.func @transform_11(%arg0: i32) -> (i32, i32) {
    %c0_i32 = arith.constant 0 : i32
    %c0_i32_0 = arith.constant 0 : i32
    return %c0_i32, %arg0 : i32, i32
  }
}

module attributes {stable_mosaic.version = 14 : i64} {
  func.func @body(%arg0: i32, %arg1: memref<512x2048xf32, #tpu.memory_space<vmem>>, %arg2: memref<2048x512xf32, #tpu.memory_space<vmem>>, %arg3: memref<512x1xf32, #tpu.memory_space<vmem>>, %arg4: memref<1x2048xf32, #tpu.memory_space<vmem>>, %arg5: memref<1024x512xf32, #tpu.memory_space<vmem>>, %arg6: memref<1024x512xf32, #tpu.memory_space<vmem>>, %arg7: memref<512x2048xf32, #tpu.memory_space<vmem>>, %arg8: memref<2048x512xf32, #tpu.memory_space<vmem>>, %arg9: memref<512x1024xf32, #tpu.memory_space<vmem>>, %arg10: memref<256x512xf32, #tpu.memory_space<vmem>>, %arg11: memref<256x1024xf32, #tpu.memory_space<vmem>>) attributes {dimension_semantics = [#tpu.dimension_semantics<arbitrary>], iteration_bounds = array<i64: 4>, scalar_prefetch = 0 : i64, scratch_operands = 0 : i64, tpu.core_type = #tpu.core_type<tc>, window_params = [{transform_indices = @transform_0, window_bounds = array<i64: 512, 2048>}, {pipeline_mode = #tpu.pipeline_mode<synchronous>, transform_indices = @transform_1, window_bounds = array<i64: 2048, 512>}, {transform_indices = @transform_2, window_bounds = array<i64: 512, 1>}, {pipeline_mode = #tpu.pipeline_mode<synchronous>, transform_indices = @transform_3, window_bounds = array<i64: 1, 2048>}, {transform_indices = @transform_4, window_bounds = array<i64: 1024, 512>}, {pipeline_mode = #tpu.pipeline_mode<synchronous>, transform_indices = @transform_5, window_bounds = array<i64: 1024, 512>}, {transform_indices = @transform_6, window_bounds = array<i64: 512, 2048>}, {pipeline_mode = #tpu.pipeline_mode<synchronous>, transform_indices = @transform_7, window_bounds = array<i64: 2048, 512>}, {pipeline_mode = #tpu.pipeline_mode<synchronous>, transform_indices = @transform_8, window_bounds = array<i64: 512, 1024>}, {transform_indices = @transform_9, window_bounds = array<i64: 256, 512>}, {pipeline_mode = #tpu.pipeline_mode<synchronous>, transform_indices = @transform_10, window_bounds = array<i64: 256, 1024>}]} {
    %get3A = arith.constant 0 : index
    %get3A_0 = arith.constant 0 : index
    %get3A_1 = vector.load %arg3[%get3A, %get3A_0] : memref<512x1xf32, #tpu.memory_space<vmem>>, vector<512x1xf32>
    %get3A_2 = arith.constant 0 : index
    %get3A_3 = arith.constant 0 : index
    %get3A_4 = vector.load %arg4[%get3A_2, %get3A_3] : memref<1x2048xf32, #tpu.memory_space<vmem>>, vector<1x2048xf32>
    %add3A = vector.broadcast %get3A_1 : vector<512x1xf32> to vector<512x2048xf32>
    %add3A_5 = vector.broadcast %get3A_4 : vector<1x2048xf32> to vector<512x2048xf32>
    %add3A_6 = arith.addf %add3A, %add3A_5 : vector<512x2048xf32>
    %ge3A = arith.constant 0.000000e+00 : f32
    %ge3A_7 = vector.broadcast %ge3A : f32 to vector<512x2048xf32>
    %ge3A_8 = arith.cmpf oge, %add3A_6, %ge3A_7 : vector<512x2048xf32>
    %mul3A = arith.constant 2.000000e-01 : f32
    %mul3A_9 = vector.broadcast %mul3A : f32 to vector<512x2048xf32>
    %mul3A_10 = arith.mulf %mul3A_9, %add3A_6 : vector<512x2048xf32>
    %select_n3A = arith.select %ge3A_8, %add3A_6, %mul3A_10 : vector<512x2048xi1>, vector<512x2048xf32>
    %get3A_11 = arith.constant 0 : index
    %get3A_12 = arith.constant 0 : index
    %get3A_13 = vector.load %arg1[%get3A_11, %get3A_12] : memref<512x2048xf32, #tpu.memory_space<vmem>>, vector<512x2048xf32>
    %ne3A = arith.constant 0.000000e+00 : f32
    %ne3A_14 = vector.broadcast %ne3A : f32 to vector<512x2048xf32>
    %ne3A_15 = arith.cmpf one, %get3A_13, %ne3A_14 : vector<512x2048xf32>
    %jit3A = arith.constant -1.000000e+09 : f32
    %broadcast_in_dim3A = vector.broadcast %jit3A : f32 to vector<512x2048xf32>
    %select_n3A_16 = arith.select %ne3A_15, %select_n3A, %broadcast_in_dim3A : vector<512x2048xi1>, vector<512x2048xf32>
    %reduce_max3A = arith.constant dense<0xFF800000> : vector<512xf32>
    %reduce_max3A_17 = vector.multi_reduction <maximumf>, %select_n3A_16, %reduce_max3A [1] : vector<512x2048xf32> to vector<512xf32>
    %broadcast_in_dim3A_18 = vector.shape_cast %reduce_max3A_17 : vector<512xf32> to vector<512x1xf32>
    %sub3A = vector.broadcast %broadcast_in_dim3A_18 : vector<512x1xf32> to vector<512x2048xf32>
    %sub3A_19 = arith.subf %select_n3A_16, %sub3A : vector<512x2048xf32>
    %exp3A = math.exp %sub3A_19 : vector<512x2048xf32>
    %reduce_sum3A = arith.constant dense<0.000000e+00> : vector<512xf32>
    %reduce_sum3A_20 = vector.multi_reduction <add>, %exp3A, %reduce_sum3A [1] : vector<512x2048xf32> to vector<512xf32>
    %broadcast_in_dim3A_21 = vector.shape_cast %reduce_sum3A_20 : vector<512xf32> to vector<512x1xf32>
    %get3A_22 = arith.constant 0 : index
    %get3A_23 = arith.constant 0 : index
    %get3A_24 = vector.load %arg2[%get3A_22, %get3A_23] : memref<2048x512xf32, #tpu.memory_space<vmem>>, vector<2048x512xf32>
    %dot_general3A = arith.constant dense<0.000000e+00> : vector<512x512xf32>
    %dot_general3A_25 = tpu.matmul %exp3A, %get3A_24, %dot_general3A {dimension_numbers = #tpu.dot_dimension_numbers<[1], [0], [0], [1], [0, 0, 1, 1], [], []>, transpose_lhs_hint = false} : vector<512x2048xf32>, vector<2048x512xf32>, vector<512x512xf32> -> vector<512x512xf32>
    %div3A = vector.broadcast %broadcast_in_dim3A_21 : vector<512x1xf32> to vector<512x512xf32>
    %div3A_26 = arith.divf %dot_general3A_25, %div3A : vector<512x512xf32>
    %get3A_27 = arith.constant 0 : index
    %get3A_28 = arith.constant 0 : index
    %get3A_29 = vector.load %arg5[%get3A_27, %get3A_28] : memref<1024x512xf32, #tpu.memory_space<vmem>>, vector<1024x512xf32>
    %get3A_30 = arith.constant 0 : index
    %get3A_31 = arith.constant 0 : index
    %get3A_32 = vector.load %arg6[%get3A_30, %get3A_31] : memref<1024x512xf32, #tpu.memory_space<vmem>>, vector<1024x512xf32>
    %dot_general3A_33 = arith.constant dense<0.000000e+00> : vector<512x512xf32>
    %dot_general3A_34 = tpu.matmul %get3A_29, %get3A_32, %dot_general3A_33 {dimension_numbers = #tpu.dot_dimension_numbers<[0], [0], [1], [1], [0, 1, 1, 1], [], []>, transpose_lhs_hint = false} : vector<1024x512xf32>, vector<1024x512xf32>, vector<512x512xf32> -> vector<512x512xf32>
    %add3A_35 = arith.addf %div3A_26, %dot_general3A_34 : vector<512x512xf32>
    %get3A_36 = arith.constant 0 : index
    %get3A_37 = arith.constant 0 : index
    %get3A_38 = vector.load %arg7[%get3A_36, %get3A_37] : memref<512x2048xf32, #tpu.memory_space<vmem>>, vector<512x2048xf32>
    %get3A_39 = arith.constant 0 : index
    %get3A_40 = arith.constant 0 : index
    %get3A_41 = vector.load %arg8[%get3A_39, %get3A_40] : memref<2048x512xf32, #tpu.memory_space<vmem>>, vector<2048x512xf32>
    %dot_general3A_42 = arith.constant dense<0.000000e+00> : vector<512x512xf32>
    %dot_general3A_43 = tpu.matmul %get3A_38, %get3A_41, %dot_general3A_42 {dimension_numbers = #tpu.dot_dimension_numbers<[1], [0], [0], [1], [0, 0, 1, 1], [], []>, transpose_lhs_hint = false} : vector<512x2048xf32>, vector<2048x512xf32>, vector<512x512xf32> -> vector<512x512xf32>
    %add3A_44 = arith.addf %add3A_35, %dot_general3A_43 : vector<512x512xf32>
    %max3A = arith.constant 0.000000e+00 : f32
    %max3A_45 = vector.broadcast %max3A : f32 to vector<512x512xf32>
    %max3A_46 = arith.maximumf %add3A_44, %max3A_45 : vector<512x512xf32>
    %get3A_47 = arith.constant 0 : index
    %get3A_48 = arith.constant 0 : index
    %get3A_49 = vector.load %arg9[%get3A_47, %get3A_48] : memref<512x1024xf32, #tpu.memory_space<vmem>>, vector<512x1024xf32>
    %dot_general3A_50 = arith.constant dense<0.000000e+00> : vector<512x1024xf32>
    %dot_general3A_51 = tpu.matmul %max3A_46, %get3A_49, %dot_general3A_50 {dimension_numbers = #tpu.dot_dimension_numbers<[1], [0], [0], [1], [0, 0, 1, 1], [], []>, transpose_lhs_hint = false} : vector<512x512xf32>, vector<512x1024xf32>, vector<512x1024xf32> -> vector<512x1024xf32>
    %get3A_52 = arith.constant 0 : index
    %get3A_53 = arith.constant 0 : index
    %get3A_54 = vector.load %arg10[%get3A_52, %get3A_53] : memref<256x512xf32, #tpu.memory_space<vmem>>, vector<256x512xf32>
    %dot_general3A_55 = arith.constant dense<0.000000e+00> : vector<256x1024xf32>
    %dot_general3A_56 = tpu.matmul %get3A_54, %dot_general3A_51, %dot_general3A_55 {dimension_numbers = #tpu.dot_dimension_numbers<[1], [0], [0], [1], [0, 0, 1, 1], [], []>, transpose_lhs_hint = false} : vector<256x512xf32>, vector<512x1024xf32>, vector<256x1024xf32> -> vector<256x1024xf32>
    %eq3A = arith.constant 0 : i32
    %eq3A_57 = arith.cmpi eq, %arg0, %eq3A : i32
    %get3A_58 = arith.constant 0 : index
    %get3A_59 = arith.constant 0 : index
    %get3A_60 = vector.load %arg11[%get3A_58, %get3A_59] : memref<256x1024xf32, #tpu.memory_space<vmem>>, vector<256x1024xf32>
    %add3A_61 = arith.addf %get3A_60, %dot_general3A_56 : vector<256x1024xf32>
    %select_n3A_62 = arith.select %eq3A_57, %dot_general3A_56, %add3A_61 : vector<256x1024xf32>
    %swap3A = arith.constant 0 : index
    %swap3A_63 = arith.constant 0 : index
    %swap3A_64 = vector.load %arg11[%swap3A, %swap3A_63] : memref<256x1024xf32, #tpu.memory_space<vmem>>, vector<256x1024xf32>
    tpu.vector_store %arg11[%swap3A, %swap3A_63], %select_n3A_62 {strides = array<i32>} : memref<256x1024xf32, #tpu.memory_space<vmem>>, vector<256x1024xf32>,
    return
  }
  func.func @transform_0(%arg0: i32) -> (i32, i32) {
    %c0_i32 = arith.constant 0 : i32
    %c0_i32_0 = arith.constant 0 : i32
    return %arg0, %c0_i32 : i32, i32
  }
  func.func @transform_1(%arg0: i32) -> (i32, i32) {
    %c0_i32 = arith.constant 0 : i32
    %c0_i32_0 = arith.constant 0 : i32
    %c0_i32_1 = arith.constant 0 : i32
    return %c0_i32, %c0_i32_0 : i32, i32
  }
  func.func @transform_2(%arg0: i32) -> (i32, i32) {
    %add3A = arith.constant 0 : i32
    %add3A_0 = arith.addi %add3A, %arg0 : i32
    %c0_i32 = arith.constant 0 : i32
    %c0_i32_1 = arith.constant 0 : i32
    return %add3A_0, %c0_i32 : i32, i32
  }
  func.func @transform_3(%arg0: i32) -> (i32, i32) {
    %c0_i32 = arith.constant 0 : i32
    %c0_i32_0 = arith.constant 0 : i32
    %c0_i32_1 = arith.constant 0 : i32
    return %c0_i32, %c0_i32_0 : i32, i32
  }
  func.func @transform_4(%arg0: i32) -> (i32, i32) {
    %c0_i32 = arith.constant 0 : i32
    %c0_i32_0 = arith.constant 0 : i32
    return %c0_i32, %arg0 : i32, i32
  }
  func.func @transform_5(%arg0: i32) -> (i32, i32) {
    %c0_i32 = arith.constant 0 : i32
    %c0_i32_0 = arith.constant 0 : i32
    %c0_i32_1 = arith.constant 0 : i32
    return %c0_i32, %c0_i32_0 : i32, i32
  }
  func.func @transform_6(%arg0: i32) -> (i32, i32) {
    %c0_i32 = arith.constant 0 : i32
    %c0_i32_0 = arith.constant 0 : i32
    return %arg0, %c0_i32 : i32, i32
  }
  func.func @transform_7(%arg0: i32) -> (i32, i32) {
    %c0_i32 = arith.constant 0 : i32
    %c0_i32_0 = arith.constant 0 : i32
    %c0_i32_1 = arith.constant 0 : i32
    return %c0_i32, %c0_i32_0 : i32, i32
  }
  func.func @transform_8(%arg0: i32) -> (i32, i32) {
    %c0_i32 = arith.constant 0 : i32
    %c0_i32_0 = arith.constant 0 : i32
    %c0_i32_1 = arith.constant 0 : i32
    return %c0_i32, %c0_i32_0 : i32, i32
  }
  func.func @transform_9(%arg0: i32) -> (i32, i32) {
    %c0_i32 = arith.constant 0 : i32
    %c0_i32_0 = arith.constant 0 : i32
    return %c0_i32, %arg0 : i32, i32
  }
  func.func @transform_10(%arg0: i32) -> (i32, i32) {
    %c0_i32 = arith.constant 0 : i32
    %c0_i32_0 = arith.constant 0 : i32
    %c0_i32_1 = arith.constant 0 : i32
    return %c0_i32, %c0_i32_0 : i32, i32
  }
}

module attributes {stable_mosaic.version = 14 : i64} {
  func.func @body(%arg0: memref<256x1024xf32, #tpu.memory_space<vmem>>, %arg1: memref<256x1xi32, #tpu.memory_space<vmem>>, %arg2: memref<1024x1xf32, #tpu.memory_space<vmem>>, %arg3: memref<1x1024xf32, #tpu.memory_space<vmem>>, %arg4: memref<1024x1024xf32, #tpu.memory_space<vmem>>, %arg5: memref<256x1024xf32, #tpu.memory_space<vmem>>, %arg6: memref<1024x64xf32, #tpu.memory_space<vmem>>, %arg7: memref<1x64xf32, #tpu.memory_space<vmem>>, %arg8: memref<256x64xf32, #tpu.memory_space<vmem>>) attributes {dimension_semantics = [], scalar_prefetch = 0 : i64, scratch_operands = 0 : i64, tpu.core_type = #tpu.core_type<tc>} {
    %iota3A = tpu.iota {dimensions = array<i32: 1>} : vector<256x1024xi32>
    %get3A = arith.constant 0 : index
    %get3A_0 = arith.constant 0 : index
    %get3A_1 = vector.load %arg1[%get3A, %get3A_0] : memref<256x1xi32, #tpu.memory_space<vmem>>, vector<256x1xi32>
    %eq3A = vector.broadcast %get3A_1 : vector<256x1xi32> to vector<256x1024xi32>
    %eq3A_2 = arith.cmpi eq, %iota3A, %eq3A : vector<256x1024xi32>
    %convert_element_type3A = arith.extui %eq3A_2 : vector<256x1024xi1> to vector<256x1024xi32>
    %convert_element_type3A_3 = arith.sitofp %convert_element_type3A : vector<256x1024xi32> to vector<256x1024xf32>
    %get3A_4 = arith.constant 0 : index
    %get3A_5 = arith.constant 0 : index
    %get3A_6 = vector.load %arg2[%get3A_4, %get3A_5] : memref<1024x1xf32, #tpu.memory_space<vmem>>, vector<1024x1xf32>
    %dot_general3A = arith.constant dense<0.000000e+00> : vector<256x1xf32>
    %dot_general3A_7 = tpu.matmul %convert_element_type3A_3, %get3A_6, %dot_general3A {dimension_numbers = #tpu.dot_dimension_numbers<[1], [0], [0], [1], [0, 0, 1, 1], [], []>, transpose_lhs_hint = false} : vector<256x1024xf32>, vector<1024x1xf32>, vector<256x1xf32> -> vector<256x1xf32>
    %get3A_8 = arith.constant 0 : index
    %get3A_9 = arith.constant 0 : index
    %get3A_10 = vector.load %arg3[%get3A_8, %get3A_9] : memref<1x1024xf32, #tpu.memory_space<vmem>>, vector<1x1024xf32>
    %add3A = vector.broadcast %dot_general3A_7 : vector<256x1xf32> to vector<256x1024xf32>
    %add3A_11 = vector.broadcast %get3A_10 : vector<1x1024xf32> to vector<256x1024xf32>
    %add3A_12 = arith.addf %add3A, %add3A_11 : vector<256x1024xf32>
    %ge3A = arith.constant 0.000000e+00 : f32
    %ge3A_13 = vector.broadcast %ge3A : f32 to vector<256x1024xf32>
    %ge3A_14 = arith.cmpf oge, %add3A_12, %ge3A_13 : vector<256x1024xf32>
    %mul3A = arith.constant 2.000000e-01 : f32
    %mul3A_15 = vector.broadcast %mul3A : f32 to vector<256x1024xf32>
    %mul3A_16 = arith.mulf %mul3A_15, %add3A_12 : vector<256x1024xf32>
    %select_n3A = arith.select %ge3A_14, %add3A_12, %mul3A_16 : vector<256x1024xi1>, vector<256x1024xf32>
    %get3A_17 = arith.constant 0 : index
    %get3A_18 = arith.constant 0 : index
    %get3A_19 = vector.load %arg0[%get3A_17, %get3A_18] : memref<256x1024xf32, #tpu.memory_space<vmem>>, vector<256x1024xf32>
    %ne3A = arith.constant 0.000000e+00 : f32
    %ne3A_20 = vector.broadcast %ne3A : f32 to vector<256x1024xf32>
    %ne3A_21 = arith.cmpf one, %get3A_19, %ne3A_20 : vector<256x1024xf32>
    %jit3A = arith.constant -1.000000e+09 : f32
    %broadcast_in_dim3A = vector.broadcast %jit3A : f32 to vector<256x1024xf32>
    %select_n3A_22 = arith.select %ne3A_21, %select_n3A, %broadcast_in_dim3A : vector<256x1024xi1>, vector<256x1024xf32>
    %reduce_max3A = arith.constant dense<0xFF800000> : vector<256xf32>
    %reduce_max3A_23 = vector.multi_reduction <maximumf>, %select_n3A_22, %reduce_max3A [1] : vector<256x1024xf32> to vector<256xf32>
    %broadcast_in_dim3A_24 = vector.shape_cast %reduce_max3A_23 : vector<256xf32> to vector<256x1xf32>
    %sub3A = vector.broadcast %broadcast_in_dim3A_24 : vector<256x1xf32> to vector<256x1024xf32>
    %sub3A_25 = arith.subf %select_n3A_22, %sub3A : vector<256x1024xf32>
    %exp3A = math.exp %sub3A_25 : vector<256x1024xf32>
    %reduce_sum3A = arith.constant dense<0.000000e+00> : vector<256xf32>
    %reduce_sum3A_26 = vector.multi_reduction <add>, %exp3A, %reduce_sum3A [1] : vector<256x1024xf32> to vector<256xf32>
    %broadcast_in_dim3A_27 = vector.shape_cast %reduce_sum3A_26 : vector<256xf32> to vector<256x1xf32>
    %get3A_28 = arith.constant 0 : index
    %get3A_29 = arith.constant 0 : index
    %get3A_30 = vector.load %arg4[%get3A_28, %get3A_29] : memref<1024x1024xf32, #tpu.memory_space<vmem>>, vector<1024x1024xf32>
    %dot_general3A_31 = arith.constant dense<0.000000e+00> : vector<256x1024xf32>
    %dot_general3A_32 = tpu.matmul %exp3A, %get3A_30, %dot_general3A_31 {dimension_numbers = #tpu.dot_dimension_numbers<[1], [0], [0], [1], [0, 0, 1, 1], [], []>, transpose_lhs_hint = false} : vector<256x1024xf32>, vector<1024x1024xf32>, vector<256x1024xf32> -> vector<256x1024xf32>
    %div3A = vector.broadcast %broadcast_in_dim3A_27 : vector<256x1xf32> to vector<256x1024xf32>
    %div3A_33 = arith.divf %dot_general3A_32, %div3A : vector<256x1024xf32>
    %get3A_34 = arith.constant 0 : index
    %get3A_35 = arith.constant 0 : index
    %get3A_36 = vector.load %arg5[%get3A_34, %get3A_35] : memref<256x1024xf32, #tpu.memory_space<vmem>>, vector<256x1024xf32>
    %add3A_37 = arith.addf %div3A_33, %get3A_36 : vector<256x1024xf32>
    %max3A = arith.constant 0.000000e+00 : f32
    %max3A_38 = vector.broadcast %max3A : f32 to vector<256x1024xf32>
    %max3A_39 = arith.maximumf %add3A_37, %max3A_38 : vector<256x1024xf32>
    %get3A_40 = arith.constant 0 : index
    %get3A_41 = arith.constant 0 : index
    %get3A_42 = vector.load %arg6[%get3A_40, %get3A_41] : memref<1024x64xf32, #tpu.memory_space<vmem>>, vector<1024x64xf32>
    %dot_general3A_43 = arith.constant dense<0.000000e+00> : vector<256x64xf32>
    %dot_general3A_44 = tpu.matmul %max3A_39, %get3A_42, %dot_general3A_43 {dimension_numbers = #tpu.dot_dimension_numbers<[1], [0], [0], [1], [0, 0, 1, 1], [], []>, transpose_lhs_hint = false} : vector<256x1024xf32>, vector<1024x64xf32>, vector<256x64xf32> -> vector<256x64xf32>
    %get3A_45 = arith.constant 0 : index
    %get3A_46 = arith.constant 0 : index
    %get3A_47 = vector.load %arg7[%get3A_45, %get3A_46] : memref<1x64xf32, #tpu.memory_space<vmem>>, vector<1x64xf32>
    %add3A_48 = vector.broadcast %get3A_47 : vector<1x64xf32> to vector<256x64xf32>
    %add3A_49 = arith.addf %dot_general3A_44, %add3A_48 : vector<256x64xf32>
    %swap3A = arith.constant 0 : index
    %swap3A_50 = arith.constant 0 : index
    %swap3A_51 = vector.load %arg8[%swap3A, %swap3A_50] : memref<256x64xf32, #tpu.memory_space<vmem>>, vector<256x64xf32>
    tpu.vector_store %arg8[%swap3A, %swap3A_50], %add3A_49 {strides = array<i32>} : memref<256x64xf32, #tpu.memory_space<vmem>>, vector<256x64xf32>,
    return
  }
}

</mosaic_0001>

<sc_bundles>
// kernel: kernel.14.cloned.1.call-start
scs
__scs_entry_jumppad:
0x0: {  	(pc) =	sbr.rel $0x88, $3  }
0x1: {  	(tag) =	ssettag $0x0;
	lr =	simm.s32 $0x1  }
0x2: {  	[smem:$0x3F83] =	sst lr;
	_ =	strace $0xD0000000  }
0x3: {  	_ = 	snop  }
0x4: {  	_ = 	snop  }
0x5: {  	_ = 	snop  }
0x6: {  	_ = 	snop  }
0x7: {  	_ = 	snop  }
__scs_overlays_trampoline_lowered:
0x8: {  	[smem:$0x3F92] =	sst s0  }
0x9: {  	[smem:$0x3F93] =	sst s1  }
0xa: {  	[smem:$0x3F94] =	sst s2  }
0xb: {  	[smem:$0x3F95] =	sst s3  }
0xc: {  	[smem:$0x3F96] =	sst s4  }
0xd: {  	[smem:$0x3F97] =	sst s5  }
0xe: {  	[smem:$0x3F98] =	sst s6  }
0xf: {  	[smem:$0x3F99] =	sst s7  }
0x10: {  	[smem:$0x3F9A] =	sst s8  }
0x11: {  	[smem:$0x3F9B] =	sst s9;
	s0 =	simm.s32 @!p0 $0x0  }
0x12: {  	s1 =	sld [smem:$0x3F81];
	s0 =	simm.s32 @p0 $0x1  }
0x13: {  	[smem:$0x3F9C] =	sst s0;
	s0 =	simm.s32 @!p1 $0x0  }
0x14: {  	s2 =	sld [smem:$0x3F80];
	s0 =	simm.s32 @p1 $0x1  }
0x15: {  	[smem:$0x3F9D] =	sst s0;
	s0 =	simm.s32 @!p2 $0x0  }
0x16: {  	s3 =	sld [smem:$0x3FDB];
	s0 =	simm.s32 @p2 $0x1  }
0x17: {  	s4 =	simm.s32 $0x1BF5;
	[smem:$0x3F9F] =	sst s0  }
0x18: {  	s0 =	sld [smem:$0x3F82];
	_ =	swait.ge [sflag:s4], $0x0  }
0x19: {  	s7 =	sld [smem:$0x3F83]  }
0x1a: {  	s8 =	sadd.s32 $0xFFFFE003, lr  }
0x1b: {  	s9 =	sadd.s32 $0xFFFFFEF7, lr;
	s5 =	simm.s32 $0xFFFFFFFF;
	p2 =	slt.u32 s8, $0xFFFFF086  }
0x1c: {  	p1 =	slt.u32 s9, $0xF7A;
	s5 =	simm.s32 @!p2 $0x0  }
0x1d: {  	s5 =	simm.s32 @p1 $0x1;
	p0 =	seq.s32 s7, s2  }
0x1e: {  	s7 =	smul.u32 @!p0 $0xF7A, s2;
	p2 =	seq.s32 @!p0 s5, $0x0  }
0x1f: {  	s9 =	smul.u32 $0xF7A, s1;
	s8 =	simm.s32 @!p0 $0x1BF5;
	p2 =	por !p2, p0  }
0x20: {  	[sflag:s8] =	ssyncset.s32 @!p0 $0xFFFFF086;
	s6 =	sadd.s32 @!p0 s3, s7;
	s7 =	simm.s32 @!p0 $0x108  }
0x21: {  	s3 =	sadd.s32 s3, s9;
	s6 =	sadd.s32 @!p0 $0x88, s6;
	s7 =	simm.s32 @p2 $0x1082  }
0x22: {  	[simem:s7], [sflag:s8] =	dma.local @!p0 [hbm:s6], $0xF7A  }
0x23: {  	s9 =	sor.u32 $0xD0000000, s2;
	s6 =	simm.s32 $0x108;
	_ =	swait.ge @!p0 [sflag:s8], $0x0  }
0x24: {  	s3 =	sadd.s32 $0x88, s3;
	s6 =	simm.s32 @!p1 $0x1082;
	[sflag:s4] =	ssyncset.s32 $0xFFFFF086  }
0x25: {  	[simem:s6], [sflag:s4] =	dma.local [hbm:s3], $0xF7A  }
0x26: {  	[smem:$0x3F83] =	sst s1;
	(tag) =	ssettag s2;
	_ =	strace s9  }
0x27: {  	s1 =	sld [smem:$0x3F93]  }
0x28: {  	s2 =	sld [smem:$0x3F94]  }
0x29: {  	s4 =	sld [smem:$0x3F96]  }
0x2a: {  	p0 =	seq.s32 s5, $0x0;
	s5 =	sld [smem:$0x3F97]  }
0x2b: {  	s6 =	sld [smem:$0x3F98]  }
0x2c: {  	s7 =	sld [smem:$0x3F99]  }
0x2d: {  	s3 =	simm.s32 $0x108;
	s8 =	sld [smem:$0x3F9A]  }
0x2e: {  	s3 =	simm.s32 @!p0 $0x1082;
	s9 =	sld [smem:$0x3F9B]  }
0x2f: {  	lr =	sadd.s32 s0, s3;
	s0 =	sld [smem:$0x3F92]  }
0x30: {  	s3 =	sld [smem:$0x3F95]  }
0x31: {  	[smem:$0x3F9E] =	sst s10  }
0x32: {  	s10 =	sld [smem:$0x3F9C];
	_ =	sdelay $0x3  }
0x33: {  	p0 =	seq.s32 s10, $0x1;
	s10 =	sld [smem:$0x3F9E];
	_ =	sdelay $0x3  }
0x34: {  	[smem:$0x3F9E] =	sst s10  }
0x35: {  	s10 =	sld [smem:$0x3F9D];
	_ =	sdelay $0x3  }
0x36: {  	p1 =	seq.s32 s10, $0x1;
	s10 =	sld [smem:$0x3F9E];
	_ =	sdelay $0x3  }
0x37: {  	[smem:$0x3F9E] =	sst s10  }
0x38: {  	s10 =	sld [smem:$0x3F9F]  }
0x39: {  	_ = 	snop;
	(pc) =	sbr.ind lr, $3  }
0x3a: {  	_ = 	snop  }
0x3b: {  	_ = 	snop  }
0x3c: {  	p2 =	seq.s32 s10, $0x1;
	s10 =	sld [smem:$0x3F9E]  }
0x3d: {  	_ =	shalt  }
0x3e: {  	_ =	shalt  }
0x3f: {  	_ =	shalt  }
0x40: {  	_ =	shalt  }
0x41: {  	_ =	shalt  }
0x42: {  	_ =	shalt  }
0x43: {  	_ =	shalt  }
0x44: {  	_ =	shalt  }
0x45: {  	_ =	shalt  }
0x46: {  	_ =	shalt  }
0x47: {  	_ =	shalt  }
0x48: {  	_ =	shalt  }
0x49: {  	_ =	shalt  }
0x4a: {  	_ =	shalt  }
0x4b: {  	_ =	shalt  }
0x4c: {  	_ =	shalt  }
0x4d: {  	_ =	shalt  }
0x4e: {  	_ =	shalt  }
0x4f: {  	_ =	shalt  }
0x50: {  	_ =	shalt  }
0x51: {  	_ =	shalt  }
0x52: {  	_ =	shalt  }
0x53: {  	_ =	shalt  }
0x54: {  	_ =	shalt  }
0x55: {  	_ =	shalt  }
0x56: {  	_ =	shalt  }
0x57: {  	_ =	shalt  }
0x58: {  	_ =	shalt  }
0x59: {  	_ =	shalt  }
0x5a: {  	_ =	shalt  }
0x5b: {  	_ =	shalt  }
0x5c: {  	_ =	shalt  }
0x5d: {  	_ =	shalt  }
0x5e: {  	_ =	shalt  }
0x5f: {  	_ =	shalt  }
0x60: {  	_ =	shalt  }
0x61: {  	_ =	shalt  }
0x62: {  	_ =	shalt  }
0x63: {  	_ =	shalt  }
0x64: {  	_ =	shalt  }
0x65: {  	_ =	shalt  }
0x66: {  	_ =	shalt  }
0x67: {  	_ =	shalt  }
0x68: {  	_ =	shalt  }
0x69: {  	_ =	shalt  }
0x6a: {  	_ =	shalt  }
0x6b: {  	_ =	shalt  }
0x6c: {  	_ =	shalt  }
0x6d: {  	_ =	shalt  }
0x6e: {  	_ =	shalt  }
0x6f: {  	_ =	shalt  }
0x70: {  	_ =	shalt  }
0x71: {  	_ =	shalt  }
0x72: {  	_ =	shalt  }
0x73: {  	_ =	shalt  }
0x74: {  	_ =	shalt  }
0x75: {  	_ =	shalt  }
0x76: {  	_ =	shalt  }
0x77: {  	_ =	shalt  }
0x78: {  	_ =	shalt  }
0x79: {  	_ =	shalt  }
0x7a: {  	_ =	shalt  }
0x7b: {  	_ =	shalt  }
0x7c: {  	_ =	shalt  }
0x7d: {  	_ =	shalt  }
0x7e: {  	_ =	shalt  }
0x7f: {  	_ =	shalt  }
0x80: {  	_ =	shalt  }
0x81: {  	_ =	shalt  }
0x82: {  	_ =	shalt  }
0x83: {  	_ =	shalt  }
0x84: {  	_ =	shalt  }
0x85: {  	_ =	shalt  }
0x86: {  	_ =	shalt  }
0x87: {  	_ =	shalt  }
.Lfunc_end0:
.L_simem_size_0:
called_computation.1_lowered:
.L_overlay_start_0:
0x88: {  	s2 =	sld [smem:$0x3FD9]  }
0x89: {  	s3 =	sld [smem:$0x3FFE];
	_ =	sdelay $0x1  }
0x8a: {  	s1 =	srdreg.scid  }
0x8b: {  	s0 =	sand.u32 $0x1, s1  }
0x8c: {  	s17 =	sshll.u32 s0, $0xA;
	s2 =	sadd.s32 s3, s2  }
0x8d: {  	s2 =	sadd.s32 s2, s17  }
0x8e: {  	[smem:$0x3FAA] =	sst s2  }
0x8f: {  	_ = 	snop  }
0x90: {  	s18 =	sld [smem:$0x3FC5]  }
0x91: {  	s4 =	sld [smem:$0x3FC1]  }
0x92: {  	s5 =	sld [smem:$0x3FBE];
	(tm) =	ssettm $0x1  }
0x93: {  	s19 =	sld [smem:$0x3FFB];
	_ =	sdelay $0x3  }
0x94: {  	_ =	strace s19  }
0x95: {  	s2 =	sld [smem:$0x3FFC];
	_ =	sdelay $0x3  }
0x96: {  	_ =	strace s2  }
0x97: {  	s2 =	sld [smem:$0x3FFD];
	_ =	sdelay $0x3  }
0x98: {  	_ =	strace s2  }
0x99: {  	_ =	strace $0x8FFFFFFF  }
0x9a: {  	s20 =	sld [smem:$0x3FDB];
	_ =	sdelay $0x1  }
0x9b: {  	s6 =	simm.s32 $_scs_section_size  }
0x9c: {  	s7 =	simm.s32 $_size__tile_overlayer_lowered;
	s8 =	simm.s32 $_tile_overlayer_lowered  }
0x9d: {  	s9 =	simm.s32 $0x1BFF;
	s21 =	sshll.u32 s8, $0x1;
	s6 =	sadd.s32 s6, s20  }
0x9e: {  	s22 =	simm.s32 $0x0;
	s7 =	sshll.u32 s7, $0x1;
	s8 =	sadd.s32 s21, s6  }
0x9f: {  	[timem:s22], [sflag:s9] =	dma.local [hbm:s8], s7  }
0xa0: {  	_ =	swait.ge [sflag:s9], s7  }
0xa1: {  	s7 =	ssub.s32 $0x0, s7;
	[sflag:s9] =	ssyncset.done $0x0  }
0xa2: {  	[sflag:s9] =	ssyncadd.s32 s7;
	_ =	sdelay $0x1  }
0xa3: {  	s23 =	simm.s32 $0x1B8B  }
0xa4: {  	_ =	swait.ge [sflag:s23], $0x1  }
0xa5: {  	[sflag:s23] =	ssyncset.done $0x0  }
0xa6: {  	[sflag:s23] =	ssyncadd.s32 $0xFFFFFFFF  }
0xa7: {  	s7 =	sld [smem:$0x0]  }
0xa8: {  	s8 =	sand.u32 $0xFFFFFFFE, s1  }
0xa9: {  	p0 =	sne.s32 s1, s8  }
0xaa: {  	s8 =	sshll.u32 @p0 s8, $0xE  }
0xab: {  	s8 =	sadd.s32 @p0 $0x11B8D, s8;
	s9 =	sshll.u32 @p0 s7, $0x11  }
0xac: {  	s8 =	sor.u32 @p0 s9, s8  }
0xad: {  	[sflag:s8] =	ssyncadd.remote.s32 @p0 $0x1;
	_ =	sdelay $0x1  }
0xae: {  	s8 =	simm.s32 @p0 $0x1B8D  }
0xaf: {  	_ =	swait.eq @p0 [sflag:s8], $0x1  }
0xb0: {  	[sflag:s8] =	ssyncadd.s32 @p0 $0xFFFFFFFF  }
0xb1: {  	s9 =	sshll.u32 @!p0 s1, $0xE  }
0xb2: {  	s9 =	sor.u32 @!p0 $0x4000, s9;
	s8 =	simm.s32 @!p0 $0x1B8D  }
0xb3: {  	s7 =	sshll.u32 @!p0 s7, $0x11;
	s9 =	sadd.s32 @!p0 $0x11B8D, s9;
	_ =	swait.eq @!p0 [sflag:s8], $0x1  }
0xb4: {  	s7 =	sor.u32 @!p0 s7, s9;
	[sflag:s8] =	ssyncadd.s32 @!p0 $0xFFFFFFFF  }
0xb5: {  	s25 =	simm.s32 $0x1B8E;
	s24 =	sld [smem:$0x3FFE];
	[sflag:s7] =	ssyncadd.remote.s32 @!p0 $0x1  }
0xb6: {  	s26 =	simm.s32 $execute0_lowered;
	[smem:$0x3FD2] =	sst s25  }
0xb7: {  	s8 =	sshll.u32 s26, $0x1;
	_ =	strace $0x80000049;
	[dreg:$0x1] =	wrdreg $0xFFFFFFFF  }
0xb8: {  	s28 =	simm.s32 $_size_execute0_lowered;
	s6 =	sadd.s32 s6, s8;
	[dreg:$0x0] =	wrdreg $0x0  }
0xb9: {  	s8 =	sshll.u32 s28, $0x1;
	[dreg:$0x2] =	wrdreg s6  }
0xba: {  	[dreg:$0x3] =	wrdreg s8  }
0xbb: {  	[dreg:$0x4] =	wrdreg $0xC0  }
0xbc: {  	_ =	task [dreg:s22], $0x5FFFF  }
0xbd: {  	[dreg:$0x1] =	wrdreg $0xFFFFFFFF  }
0xbe: {  	[dreg:$0x0] =	wrdreg $0x60  }
0xbf: {  	[dreg:$0x2] =	wrdreg s18  }
0xc0: {  	[dreg:$0x3] =	wrdreg s4  }
0xc1: {  	[dreg:$0x4] =	wrdreg s5  }
0xc2: {  	[dreg:$0x5] =	wrdreg s24  }
0xc3: {  	[dreg:$0x6] =	wrdreg $0xA  }
0xc4: {  	_ =	task.clear_ibuf [dreg:s22], $0x7FFFF;
	_ =	strace $0x90000049  }
0xc5: {  	s29 =	simm.s32 $0xA;
	_ =	strace $0x8000004B  }
0xc6: {  	_ =	swait.ge [sflag:s29], $0x1  }
0xc7: {  	[sflag:s29] =	ssyncadd.s32 $0xFFFFFFFF  }
0xc8: {  	_ =	strace $0x9000004B  }
0xc9: {  	_ =	sfence  }
0xca: {  	s30 =	sld [smem:$0x0];
	_ =	sdelay $0x2  }
0xcb: {  	s31 =	sshll.u32 s1, $0xD;
	s1 =	sshrl.u32 s1, $0x2  }
0xcc: {  	s4 =	sand.u32 $0x4000, s31;
	s1 =	sadd.s32 s1, s30  }
0xcd: {  	s0 =	sor.u32 s4, s0;
	s1 =	sshll.u32 s1, $0x11  }
0xce: {  	s0 =	sor.u32 s1, s0  }
0xcf: {  	s0 =	sadd.s32 $0x8F2B, s0  }
0xd0: {  	[sflag:s0] =	ssyncadd.remote.s32 $0x1  }
0xd1: {  	_ =	sfence.sel $0xFFFF  }
0xd2: {  	[dreg:$0x0] =	wrdreg $0xFFFFFFFF;
	(pc) =	sbr.abs _section_cstart, $3  }
0xd3: {  	[dreg:$0x1] =	wrdreg $0xFFFFFFFF  }
0xd4: {  	_ =	task.clear_ibuf [dreg:s22], $0x2FFFF;
	_ =	strace $0x9FFFFFFF  }
0xd5: {  	(tm) =	ssettm $0x7FFFFFFF  }
tec
execute0_lowered:
.L_overlay_start_1:
0x0: {  	(tag) =	ssettag $0x1  }
0x1: {  	s1 =	rddreg [dreg:$0x0]  }
0x2: {  	s2 =	rddreg [dreg:$0x1]  }
0x3: {  	s3 =	srdreg.scid;
	s5 =	rddreg [dreg:$0x2]  }
0x4: {  	s0 =	stileid.u32;
	s6 =	rddreg [dreg:$0x3];
	s4 =	simm.s32 $0x0  }
0x5: {  	s17 =	simm.s32 $0x3;
	s18 =	simm.s32 $0x80;
	s19 =	simm.s32 $0x880  }
0x6: {  	s20 =	simm.s32 $0x1080;
	s21 =	simm.s32 $0x1880;
	s22 =	simm.s32 $0x2080  }
0x7: {  	s23 =	simm.s32 $0x2880;
	s28 =	simm.s32 $0x4880;
	s29 =	simm.s32 $0x5080  }
0x8: {  	s30 =	simm.s32 $0x5880;
	s31 =	simm.s32 $0x1;
	s3 =	sand.u32 $0x1, s3  }
0x9: {  	s7 =	sshll.u32 s0, $0x4;
	[smem:$0x7FF] =	sst s4;
	s26 =	sadd.s32 $0x100, s1  }
0xa: {  	s9 =	sadd.s32 $0x300, s2;
	s10 =	sadd.s32 $0x400, s2;
	s11 =	sadd.s32 $0x500, s2  }
0xb: {  	s12 =	sadd.s32 $0x600, s2;
	s13 =	sadd.s32 $0x700, s2;
	s8 =	sshll.u32 s3, $0x3  }
0xc: {  	_ =	strace $0x8000004A;
	s3 =	ssub.s32 $0x2, s3;
	[dreg:$0x6] =	wrdreg s26  }
0xd: {  	s26 =	simm.s32 $0x4080;
	s7 =	sor.u32 s8, s7;
	s25 =	sshrl.u32 s3, $0x1  }
0xe: {  	s8 =	sshll.u32 s7, $0x7;
	s24 =	sshrl.u32 s7, $0x3;
	s7 =	sshll.u32 s7, $0x8  }
0xf: {  	s3 =	ssub.s32 s3, s25;
	s25 =	simm.s32 $0x3880;
	s14 =	sadd.s32 s8, s6  }
0x10: {  	s5 =	sadd.s32 s5, s24;
	s15 =	sadd.s32 s7, s6;
	s6 =	sadd.s32 $0x300, s1  }
0x11: {  	v0 =	vlaneseq.u32;
	s7 =	sadd.s32 $0x100, s2;
	s8 =	sadd.s32 $0x200, s2;
	s16 =	smax.u32 s3, $0x1  }
0x12: {  	v1 =	vshrl.u32 v0, $0x3;
	s24 =	simm.s32 $0x3080;
	s3 =	simm.s32 $0x2;
	[dreg:$0x5] =	wrdreg s5  }
0x13: {  	vm0 =	vmmov $0xffff;
	v0 =	vand.u32 $0x7, v0;
	v1 =	vmul.u32 $0x8, v1;
	s5 =	sadd.s32 $0x200, s1;
	s14 =	sadd.s32 $0x18E00, s14;
	s15 =	sadd.s32 $0x8E00, s15  }
.LBB2_1:
0x14: {  	s0 =	rddreg [dreg:$0x5]  }
0x15: {  	[tilespmem:s4], [sflag:$0x3] =	stream.linear.gather [hbm4b:s0+s4], $0x8, $0x38;
	[tilespmem:$0x6080] =	vst v63  }
0x16: {  	_ =	swait.ge [sflag:s17], $0x8  }
0x17: {  	[sflag:s17] =	ssyncset.done $0x0  }
0x18: {  	[sflag:s17] =	ssyncadd.s32 $0xFFFFFFF8  }
0x19: {  	v2 =	vld.msk [tilespmem:$0x0], $0xff;
	_ =	sdelay $0x4  }
0x1a: {  	v3 =	vshll.u32 v2, $0x3  }
0x1b: {  	v2 =	vand.u32 $0x7, v2;
	v3 =	vand.u32 $0xFFFFFFC0, v3  }
0x1c: {  	v2 =	vor.u32 v2, v3  }
0x1d: {  	v2 =	vperm.xlane v2, v0;
	_ =	sdelay $0x1  }
0x1e: {  	v2 =	vadd.s32 v1, v2;
	_ =	sdelay $0x4  }
0x1f: {  	[tilespmem:s18], [sflag:$0x1] =	stream.indirect_vreg.gather [hbm4b:s1+s4], $0x80, v2, vm0, $0xb8;
	[tilespmem:$0x6080] =	vst v63  }
0x20: {  	s0 =	rddreg [dreg:$0x6]  }
0x21: {  	[tilespmem:s19], [sflag:$0x1] =	stream.indirect_vreg.gather [hbm4b:s0+s4], $0x80, v2, vm0, $0xb8;
	[tilespmem:$0x6080] =	vst v63  }
0x22: {  	_ = 	snop  }
0x23: {  	[tilespmem:s20], [sflag:$0x1] =	stream.indirect_vreg.gather [hbm4b:s5+s4], $0x80, v2, vm0, $0xb8;
	[tilespmem:$0x6080] =	vst v63  }
0x24: {  	_ = 	snop  }
0x25: {  	[tilespmem:s21], [sflag:$0x1] =	stream.indirect_vreg.gather [hbm4b:s6+s4], $0x80, v2, vm0, $0xb8;
	[tilespmem:$0x6080] =	vst v63  }
0x26: {  	v2 =	vld.msk [tilespmem:$0x0], $0xff;
	_ =	sdelay $0x4  }
0x27: {  	v3 =	vshll.u32 v2, $0x4  }
0x28: {  	v2 =	vand.u32 $0x7, v2;
	v3 =	vand.u32 $0xFFFFFF80, v3  }
0x29: {  	v2 =	vor.u32 v2, v3  }
0x2a: {  	v2 =	vperm.xlane v2, v0;
	_ =	sdelay $0x1  }
0x2b: {  	v2 =	vadd.s32 v1, v2;
	_ =	sdelay $0x4  }
0x2c: {  	[tilespmem:s22], [sflag:$0x2] =	stream.indirect_vreg.gather [hbm4b:s2+s4], $0x80, v2, vm0, $0xb8;
	[tilespmem:$0x6080] =	vst v63  }
0x2d: {  	_ = 	snop  }
0x2e: {  	[tilespmem:s23], [sflag:$0x2] =	stream.indirect_vreg.gather [hbm4b:s7+s4], $0x80, v2, vm0, $0xb8;
	[tilespmem:$0x6080] =	vst v63  }
0x2f: {  	_ = 	snop  }
0x30: {  	[tilespmem:s24], [sflag:$0x2] =	stream.indirect_vreg.gather [hbm4b:s8+s4], $0x80, v2, vm0, $0xb8;
	[tilespmem:$0x6080] =	vst v63  }
0x31: {  	_ = 	snop  }
0x32: {  	[tilespmem:s25], [sflag:$0x2] =	stream.indirect_vreg.gather [hbm4b:s9+s4], $0x80, v2, vm0, $0xb8;
	[tilespmem:$0x6080] =	vst v63  }
0x33: {  	_ = 	snop  }
0x34: {  	[tilespmem:s26], [sflag:$0x2] =	stream.indirect_vreg.gather [hbm4b:s10+s4], $0x80, v2, vm0, $0xb8;
	[tilespmem:$0x6080] =	vst v63  }
0x35: {  	_ = 	snop  }
0x36: {  	[tilespmem:s28], [sflag:$0x2] =	stream.indirect_vreg.gather [hbm4b:s11+s4], $0x80, v2, vm0, $0xb8;
	[tilespmem:$0x6080] =	vst v63  }
0x37: {  	_ = 	snop  }
0x38: {  	[tilespmem:s29], [sflag:$0x2] =	stream.indirect_vreg.gather [hbm4b:s12+s4], $0x80, v2, vm0, $0xb8;
	[tilespmem:$0x6080] =	vst v63  }
0x39: {  	_ = 	snop  }
0x3a: {  	[tilespmem:s30], [sflag:$0x2] =	stream.indirect_vreg.gather [hbm4b:s13+s4], $0x80, v2, vm0, $0xb8;
	[tilespmem:$0x6080] =	vst v63  }
0x3b: {  	_ =	swait.ge [sflag:s31], $0x2000  }
0x3c: {  	[sflag:s31] =	ssyncset.done $0x0  }
0x3d: {  	[sflag:s31] =	ssyncadd.s32 $0xFFFFE000  }
0x3e: {  	_ =	swait.ge [sflag:s3], $0x4000  }
0x3f: {  	[sflag:s3] =	ssyncset.done $0x0  }
0x40: {  	[sflag:s3] =	ssyncadd.s32 $0xFFFFC000  }
0x41: {  	[hbm4b:s14+s4] =	stream.linear.scatter [tilespmem:s18], [sflag:$0x3], $0x2000, $0x38;
	[tilespmem:$0x6080] =	vst v63  }
0x42: {  	_ =	swait.ge [sflag:s17], $0x2000  }
0x43: {  	p0 =	sne.s32 s16, $0x1;
	[sflag:s17] =	ssyncset.done $0x0  }
.Ltmp0:
0x44: {  	[sflag:s17] =	ssyncadd.s32 $0xFFFFE000;
	(pc) =	sbr.rel @p0 .LBB2_1-.Ltmp0, $4  }
0x45: {  	[hbm4b:s15+s4] =	stream.linear.scatter [tilespmem:s22], [sflag:$0x3], $0x4000, $0x38;
	[tilespmem:$0x6080] =	vst v63  }
0x46: {  	_ =	swait.ge [sflag:s17], $0x4000  }
0x47: {  	[sflag:s17] =	ssyncset.done $0x0  }
0x48: {  	s16 =	sadd.s32 $0xFFFFFFFF, s16;
	[sflag:s17] =	ssyncadd.s32 $0xFFFFC000  }
0x49: {  	_ =	sfence.sel $0x180000  }
0x4a: {  	[bflag:$0x0] =	sbarrier.arrive $0xFFFF  }
0x4b: {  	_ =	strace $0x9000004A  }
0x4c: {  	s0 =	stileid.u32;
	[bflag:$0x2] =	sbarrier.arrive $0xFFFF  }
0x4d: {  	p0 =	sne.s32 s0, $0x0;
	s0 =	rddreg [dreg:$0x4]  }
0x4e: {  	s0 =	sadd.s32 @!p0 $0x100000, s0  }
0x4f: {  	[sflag:s0] =	ssyncadd.tile.s32 @!p0 $0x1;
	_ =	shalt  }
.Lfunc_end2:
_tile_overlayer_lowered:
.L_overlay_start_2:
0x50: {  	(tag) =	ssettag $0x2  }
0x51: {  	s0 =	rddreg [dreg:$0x0];
	s2 =	stileid.u32  }
0x52: {  	s1 =	rddreg [dreg:$0x1];
	p0 =	sne.s32 s2, $0x0  }
0x53: {  	s3 =	rddreg [dreg:$0x2];
	[bflag:$0x3] =	sbarrier.arrive $0xFFFF;
	s2 =	simm.s32 @!p0 $0x1C03  }
0x54: {  	[timem:s3], [sflag:s2] =	dma.local @!p0 [hbm:s0], s1  }
0x55: {  	s0 =	simm.s32 @!p0 $0x3  }
0x56: {  	_ =	swait.ge @!p0 [sflag:s0], s1  }
0x57: {  	s1 =	ssub.s32 @!p0 $0x0, s1;
	[sflag:s0] =	ssyncset.done @!p0 $0x0  }
0x58: {  	[sflag:s0] =	ssyncadd.s32 @!p0 s1  }
0x59: {  	[bflag:$0x3] =	sbarrier.arrive $0xFFFF  }
0x5a: {  	_ =	shalt  }

// kernel: scatter_offload_async_start
scs
__scs_entry_jumppad:
0x0: {  	(pc) =	sbr.rel $0x88, $3  }
0x1: {  	(tag) =	ssettag $0x0;
	lr =	simm.s32 $0x1  }
0x2: {  	[smem:$0x3F83] =	sst lr;
	_ =	strace $0xD0000000  }
0x3: {  	_ = 	snop  }
0x4: {  	_ = 	snop  }
0x5: {  	_ = 	snop  }
0x6: {  	_ = 	snop  }
0x7: {  	_ = 	snop  }
__scs_overlays_trampoline_lowered:
0x8: {  	[smem:$0x3F92] =	sst s0  }
0x9: {  	[smem:$0x3F93] =	sst s1  }
0xa: {  	[smem:$0x3F94] =	sst s2  }
0xb: {  	[smem:$0x3F95] =	sst s3  }
0xc: {  	[smem:$0x3F96] =	sst s4  }
0xd: {  	[smem:$0x3F97] =	sst s5  }
0xe: {  	[smem:$0x3F98] =	sst s6  }
0xf: {  	[smem:$0x3F99] =	sst s7  }
0x10: {  	[smem:$0x3F9A] =	sst s8  }
0x11: {  	[smem:$0x3F9B] =	sst s9;
	s0 =	simm.s32 @!p0 $0x0  }
0x12: {  	s1 =	sld [smem:$0x3F81];
	s0 =	simm.s32 @p0 $0x1  }
0x13: {  	[smem:$0x3F9C] =	sst s0;
	s0 =	simm.s32 @!p1 $0x0  }
0x14: {  	s2 =	sld [smem:$0x3F80];
	s0 =	simm.s32 @p1 $0x1  }
0x15: {  	[smem:$0x3F9D] =	sst s0;
	s0 =	simm.s32 @!p2 $0x0  }
0x16: {  	s3 =	sld [smem:$0x3FDB];
	s0 =	simm.s32 @p2 $0x1  }
0x17: {  	s4 =	simm.s32 $0x1BF5;
	[smem:$0x3F9F] =	sst s0  }
0x18: {  	s0 =	sld [smem:$0x3F82];
	_ =	swait.ge [sflag:s4], $0x0  }
0x19: {  	s7 =	sld [smem:$0x3F83]  }
0x1a: {  	s8 =	sadd.s32 $0xFFFFE003, lr  }
0x1b: {  	s9 =	sadd.s32 $0xFFFFFEF7, lr;
	s5 =	simm.s32 $0xFFFFFFFF;
	p2 =	slt.u32 s8, $0xFFFFF086  }
0x1c: {  	p1 =	slt.u32 s9, $0xF7A;
	s5 =	simm.s32 @!p2 $0x0  }
0x1d: {  	s5 =	simm.s32 @p1 $0x1;
	p0 =	seq.s32 s7, s2  }
0x1e: {  	s7 =	smul.u32 @!p0 $0xF7A, s2;
	p2 =	seq.s32 @!p0 s5, $0x0  }
0x1f: {  	s9 =	smul.u32 $0xF7A, s1;
	s8 =	simm.s32 @!p0 $0x1BF5;
	p2 =	por !p2, p0  }
0x20: {  	[sflag:s8] =	ssyncset.s32 @!p0 $0xFFFFF086;
	s6 =	sadd.s32 @!p0 s3, s7;
	s7 =	simm.s32 @!p0 $0x108  }
0x21: {  	s3 =	sadd.s32 s3, s9;
	s6 =	sadd.s32 @!p0 $0x88, s6;
	s7 =	simm.s32 @p2 $0x1082  }
0x22: {  	[simem:s7], [sflag:s8] =	dma.local @!p0 [hbm:s6], $0xF7A  }
0x23: {  	s9 =	sor.u32 $0xD0000000, s2;
	s6 =	simm.s32 $0x108;
	_ =	swait.ge @!p0 [sflag:s8], $0x0  }
0x24: {  	s3 =	sadd.s32 $0x88, s3;
	s6 =	simm.s32 @!p1 $0x1082;
	[sflag:s4] =	ssyncset.s32 $0xFFFFF086  }
0x25: {  	[simem:s6], [sflag:s4] =	dma.local [hbm:s3], $0xF7A  }
0x26: {  	[smem:$0x3F83] =	sst s1;
	(tag) =	ssettag s2;
	_ =	strace s9  }
0x27: {  	s1 =	sld [smem:$0x3F93]  }
0x28: {  	s2 =	sld [smem:$0x3F94]  }
0x29: {  	s4 =	sld [smem:$0x3F96]  }
0x2a: {  	p0 =	seq.s32 s5, $0x0;
	s5 =	sld [smem:$0x3F97]  }
0x2b: {  	s6 =	sld [smem:$0x3F98]  }
0x2c: {  	s7 =	sld [smem:$0x3F99]  }
0x2d: {  	s3 =	simm.s32 $0x108;
	s8 =	sld [smem:$0x3F9A]  }
0x2e: {  	s3 =	simm.s32 @!p0 $0x1082;
	s9 =	sld [smem:$0x3F9B]  }
0x2f: {  	lr =	sadd.s32 s0, s3;
	s0 =	sld [smem:$0x3F92]  }
0x30: {  	s3 =	sld [smem:$0x3F95]  }
0x31: {  	[smem:$0x3F9E] =	sst s10  }
0x32: {  	s10 =	sld [smem:$0x3F9C];
	_ =	sdelay $0x3  }
0x33: {  	p0 =	seq.s32 s10, $0x1;
	s10 =	sld [smem:$0x3F9E];
	_ =	sdelay $0x3  }
0x34: {  	[smem:$0x3F9E] =	sst s10  }
0x35: {  	s10 =	sld [smem:$0x3F9D];
	_ =	sdelay $0x3  }
0x36: {  	p1 =	seq.s32 s10, $0x1;
	s10 =	sld [smem:$0x3F9E];
	_ =	sdelay $0x3  }
0x37: {  	[smem:$0x3F9E] =	sst s10  }
0x38: {  	s10 =	sld [smem:$0x3F9F]  }
0x39: {  	_ = 	snop;
	(pc) =	sbr.ind lr, $3  }
0x3a: {  	_ = 	snop  }
0x3b: {  	_ = 	snop  }
0x3c: {  	p2 =	seq.s32 s10, $0x1;
	s10 =	sld [smem:$0x3F9E]  }
0x3d: {  	_ =	shalt  }
0x3e: {  	_ =	shalt  }
0x3f: {  	_ =	shalt  }
0x40: {  	_ =	shalt  }
0x41: {  	_ =	shalt  }
0x42: {  	_ =	shalt  }
0x43: {  	_ =	shalt  }
0x44: {  	_ =	shalt  }
0x45: {  	_ =	shalt  }
0x46: {  	_ =	shalt  }
0x47: {  	_ =	shalt  }
0x48: {  	_ =	shalt  }
0x49: {  	_ =	shalt  }
0x4a: {  	_ =	shalt  }
0x4b: {  	_ =	shalt  }
0x4c: {  	_ =	shalt  }
0x4d: {  	_ =	shalt  }
0x4e: {  	_ =	shalt  }
0x4f: {  	_ =	shalt  }
0x50: {  	_ =	shalt  }
0x51: {  	_ =	shalt  }
0x52: {  	_ =	shalt  }
0x53: {  	_ =	shalt  }
0x54: {  	_ =	shalt  }
0x55: {  	_ =	shalt  }
0x56: {  	_ =	shalt  }
0x57: {  	_ =	shalt  }
0x58: {  	_ =	shalt  }
0x59: {  	_ =	shalt  }
0x5a: {  	_ =	shalt  }
0x5b: {  	_ =	shalt  }
0x5c: {  	_ =	shalt  }
0x5d: {  	_ =	shalt  }
0x5e: {  	_ =	shalt  }
0x5f: {  	_ =	shalt  }
0x60: {  	_ =	shalt  }
0x61: {  	_ =	shalt  }
0x62: {  	_ =	shalt  }
0x63: {  	_ =	shalt  }
0x64: {  	_ =	shalt  }
0x65: {  	_ =	shalt  }
0x66: {  	_ =	shalt  }
0x67: {  	_ =	shalt  }
0x68: {  	_ =	shalt  }
0x69: {  	_ =	shalt  }
0x6a: {  	_ =	shalt  }
0x6b: {  	_ =	shalt  }
0x6c: {  	_ =	shalt  }
0x6d: {  	_ =	shalt  }
0x6e: {  	_ =	shalt  }
0x6f: {  	_ =	shalt  }
0x70: {  	_ =	shalt  }
0x71: {  	_ =	shalt  }
0x72: {  	_ =	shalt  }
0x73: {  	_ =	shalt  }
0x74: {  	_ =	shalt  }
0x75: {  	_ =	shalt  }
0x76: {  	_ =	shalt  }
0x77: {  	_ =	shalt  }
0x78: {  	_ =	shalt  }
0x79: {  	_ =	shalt  }
0x7a: {  	_ =	shalt  }
0x7b: {  	_ =	shalt  }
0x7c: {  	_ =	shalt  }
0x7d: {  	_ =	shalt  }
0x7e: {  	_ =	shalt  }
0x7f: {  	_ =	shalt  }
0x80: {  	_ =	shalt  }
0x81: {  	_ =	shalt  }
0x82: {  	_ =	shalt  }
0x83: {  	_ =	shalt  }
0x84: {  	_ =	shalt  }
0x85: {  	_ =	shalt  }
0x86: {  	_ =	shalt  }
0x87: {  	_ =	shalt  }
.Lfunc_end0:
.L_simem_size_0:
called_computation_lowered:
.L_overlay_start_0:
0x88: {  	s0 =	sld [smem:$0x3FD9]  }
0x89: {  	s1 =	sld [smem:$0x3FFE];
	_ =	sdelay $0x3  }
0x8a: {  	s0 =	sadd.s32 s1, s0  }
0x8b: {  	[smem:$0x3FAA] =	sst s0  }
0x8c: {  	_ = 	snop  }
0x8d: {  	s0 =	sld [smem:$0x3FD0];
	(tm) =	ssettm $0x1  }
0x8e: {  	s16 =	sld [smem:$0x3FFB];
	_ =	sdelay $0x3  }
0x8f: {  	_ =	strace s16  }
0x90: {  	s1 =	sld [smem:$0x3FFC];
	_ =	sdelay $0x3  }
0x91: {  	_ =	strace s1  }
0x92: {  	s1 =	sld [smem:$0x3FFD];
	_ =	sdelay $0x3  }
0x93: {  	_ =	strace s1  }
0x94: {  	_ =	strace $0x8FFFFFFF  }
0x95: {  	s17 =	sld [smem:$0x3FDB];
	_ =	sdelay $0x1  }
0x96: {  	s2 =	simm.s32 $_scs_section_size  }
0x97: {  	s3 =	simm.s32 $_size__tile_overlayer_lowered;
	s4 =	simm.s32 $_tile_overlayer_lowered  }
0x98: {  	s20 =	simm.s32 $0x1BFF;
	s19 =	sshll.u32 s4, $0x1;
	s1 =	sadd.s32 s2, s17  }
0x99: {  	s5 =	simm.s32 $0x0;
	s18 =	sshll.u32 s3, $0x1;
	s3 =	sadd.s32 s19, s1  }
0x9a: {  	[timem:s5], [sflag:s20] =	dma.local [hbm:s3], s18  }
0x9b: {  	_ =	swait.ge [sflag:s20], s18  }
0x9c: {  	s2 =	ssub.s32 $0x0, s18;
	[sflag:s20] =	ssyncset.done $0x0  }
0x9d: {  	[sflag:s20] =	ssyncadd.s32 s2;
	_ =	sdelay $0x1  }
0x9e: {  	s21 =	simm.s32 $0x1B8B  }
0x9f: {  	_ =	swait.ge [sflag:s21], $0x1  }
0xa0: {  	[sflag:s21] =	ssyncset.done $0x0  }
0xa1: {  	s23 =	simm.s32 $0x1B8E;
	s22 =	sld [smem:$0x3FFE];
	[sflag:s21] =	ssyncadd.s32 $0xFFFFFFFF  }
0xa2: {  	s24 =	simm.s32 $execute0_lowered;
	[smem:$0x3FD2] =	sst s23  }
0xa3: {  	s3 =	sshll.u32 s24, $0x1;
	_ =	strace $0x80000046;
	[dreg:$0x1] =	wrdreg $0xFFFFFFFF  }
0xa4: {  	s25 =	simm.s32 $_size_execute0_lowered;
	s1 =	sadd.s32 s1, s3;
	[dreg:$0x0] =	wrdreg $0x0  }
0xa5: {  	s3 =	sshll.u32 s25, $0x1;
	[dreg:$0x2] =	wrdreg s1  }
0xa6: {  	[dreg:$0x3] =	wrdreg s3  }
0xa7: {  	[dreg:$0x4] =	wrdreg $0xC0  }
0xa8: {  	_ =	task [dreg:s5], $0x5FFFF  }
0xa9: {  	[dreg:$0x1] =	wrdreg $0xFFFFFFFF  }
0xaa: {  	[dreg:$0x0] =	wrdreg $0x60  }
0xab: {  	[dreg:$0x2] =	wrdreg s0  }
0xac: {  	[dreg:$0x3] =	wrdreg s22  }
0xad: {  	[dreg:$0x4] =	wrdreg $0x9  }
0xae: {  	_ =	task.clear_ibuf [dreg:s5], $0x5FFFF;
	_ =	strace $0x90000046  }
0xaf: {  	s26 =	simm.s32 $0x9;
	_ =	strace $0x80000048  }
0xb0: {  	_ =	swait.ge [sflag:s26], $0x1  }
0xb1: {  	[sflag:s26] =	ssyncadd.s32 $0xFFFFFFFF  }
0xb2: {  	_ =	strace $0x90000048  }
0xb3: {  	_ =	sfence  }
0xb4: {  	s28 =	sld [smem:$0x0];
	_ =	sdelay $0x1  }
0xb5: {  	s29 =	srdreg.scid  }
0xb6: {  	s30 =	sshll.u32 s29, $0xD;
	s31 =	sshrl.u32 s29, $0x2  }
0xb7: {  	s2 =	sand.u32 $0x4000, s30;
	s1 =	sand.u32 $0x1, s29;
	s0 =	sadd.s32 s31, s28  }
0xb8: {  	s1 =	sor.u32 s2, s1;
	s0 =	sshll.u32 s0, $0x11  }
0xb9: {  	s0 =	sor.u32 s0, s1  }
0xba: {  	s0 =	sadd.s32 $0x8F2B, s0  }
0xbb: {  	[sflag:s0] =	ssyncadd.remote.s32 $0x1  }
0xbc: {  	_ =	sfence.sel $0xFFFF  }
0xbd: {  	[dreg:$0x0] =	wrdreg $0xFFFFFFFF;
	(pc) =	sbr.abs _section_cstart, $3  }
0xbe: {  	[dreg:$0x1] =	wrdreg $0xFFFFFFFF  }
0xbf: {  	_ =	task.clear_ibuf [dreg:s5], $0x2FFFF;
	_ =	strace $0x9FFFFFFF  }
0xc0: {  	(tm) =	ssettm $0x7FFFFFFF  }
0xc1: {  	_ =	shalt  }
tec
execute0_lowered:
.L_overlay_start_1:
0x0: {  	(tag) =	ssettag $0x1  }
0x1: {  	s1 =	rddreg [dreg:$0x0]  }
0x2: {  	s2 =	rddreg [dreg:$0x1]  }
0x3: {  	s0 =	rddreg [dreg:$0x2];
	s3 =	stileid.u32  }
0x4: {  	_ =	strace $0x80000047;
	s4 =	simm.s32 $0x3E;
	p0 =	sne.s32 s3, $0x0  }
0x5: {  	[sflag:s4] =	ssyncpa.u1 $0x0;
	s5 =	simm.s32 @!p0 $0x1C3E;
	s6 =	simm.s32 @!p0 $0x0  }
0x6: {  	[spmem:s6], [sflag:s5] =	dma.local @!p0 [hbm:s1], $0x20  }
0x7: {  	s5 =	simm.s32 @!p0 $0x3E  }
0x8: {  	_ =	swait.ge @!p0 [sflag:s5], $0x20  }
0x9: {  	[sflag:s5] =	ssyncset.done @!p0 $0x0  }
0xa: {  	s28 =	simm.s32 $0x1;
	[sflag:s5] =	ssyncadd.s32 @!p0 $0xFFFFFFE0  }
0xb: {  	s7 =	simm.s32 $0x2;
	s8 =	simm.s32 $0x0;
	[bflag:$0x0] =	sbarrier.arrive $0xFFFF  }
0xc: {  	s9 =	simm.s32 $0x20;
	s29 =	sadd.s32 $0x8A00, s2;
	[sflag:s4] =	ssyncpa.u1 $0x1  }
0xd: {  	s2 =	sadd.s32 $0x8C00, s2;
	s3 =	sshll.u32 s3, $0x1;
	[sflag:s28] =	ssyncpa.u1 $0x0  }
0xe: {  	s5 =	sadd.s32 s29, s3;
	(ifvalue) =	ssetifvalue $0x100;
	[sflag:s7] =	ssyncpa.u1 $0x0  }
0xf: {  	[tilespmem:s9], [sflag:$0x2] =	stream.linear.gather [hbm4b:s5+s8], $0x10, $0x38;
	[tilespmem:$0x50] =	vst v63  }
0x10: {  	s30 =	simm.s32 $0x40;
	s2 =	sadd.s32 s2, s3  }
0x11: {  	[tilespmem:s30], [sflag:$0x2] =	stream.linear.gather [hbm4b:s2+s8], $0x10, $0x38;
	[tilespmem:$0x50] =	vst v63  }
0x12: {  	_ =	swait.ge [sflag:s7], $0x20  }
0x13: {  	[sflag:s7] =	ssyncset.done $0x0  }
0x14: {  	[sflag:s7] =	ssyncadd.s32 $0xFFFFFFE0  }
0x15: {  	v0 =	vld.msk [tilespmem:s9+$0x0 ss:$0x1], $0xffff;
	_ =	sdelay $0x4  }
0x16: {  	v0 =	vmin.u32 v0, $0x100;
	_ =	sdelay $0x3  }
0x17: {  	vm0 =	vmmov $0xffff  }
0x18: {  	[spmem:s8] =	stream.indirect_vreg.scatter.add.s32 [tilespmem:s30], [sflag:$0x1], $0x1, v0, vm0, $0x4038;
	[tilespmem:$0x50] =	vst v63  }
0x19: {  	_ =	swait.ge [sflag:s28], $0x10  }
0x1a: {  	[sflag:s28] =	ssyncset.done $0x0  }
0x1b: {  	[sflag:s28] =	ssyncadd.s32 $0xFFFFFFF0  }
0x1c: {  	_ =	sfence.sel $0x180000  }
0x1d: {  	[bflag:$0x0] =	sbarrier.arrive $0xFFFF  }
0x1e: {  	[sflag:s7] =	ssyncpa.u1 $0x1  }
0x1f: {  	[sflag:s28] =	ssyncpa.u1 $0x1  }
0x20: {  	_ =	sfence.stream.spmem  }
0x21: {  	s31 =	simm.s32 $0x3D;
	[bflag:$0x0] =	sbarrier.arrive $0xFFFF  }
0x22: {  	s2 =	simm.s32 @p0 $0x3D;
	[sflag:s31] =	ssyncpa.u1 $0x0  }
0x23: {  	[sflag:s2] =	ssyncpa.u1 @p0 $0x1  }
0x24: {  	[bflag:$0x0] =	sbarrier.arrive @p0 $0xFFFF  }
0x25: {  	_ =	strace @p0 $0x90000047  }
0x26: {  	s2 =	simm.s32 @!p0 $0x1C3D;
	[bflag:$0x2] =	sbarrier.arrive @p0 $0xFFFF  }
0x27: {  	[hbm:s1], [sflag:s2] =	dma.local @!p0 [spmem:s6], $0x20  }
0x28: {  	s1 =	simm.s32 @!p0 $0x3D  }
0x29: {  	_ =	swait.ge @!p0 [sflag:s1], $0x20  }
0x2a: {  	[sflag:s1] =	ssyncset.done @!p0 $0x0  }
0x2b: {  	[sflag:s1] =	ssyncadd.s32 @!p0 $0xFFFFFFE0  }
0x2c: {  	[sflag:s1] =	ssyncpa.u1 @!p0 $0x1  }
0x2d: {  	[bflag:$0x0] =	sbarrier.arrive @!p0 $0xFFFF  }
0x2e: {  	_ =	strace @!p0 $0x90000047  }
0x2f: {  	s0 =	sadd.s32 @!p0 $0x100000, s0;
	[bflag:$0x2] =	sbarrier.arrive @!p0 $0xFFFF  }
0x30: {  	[sflag:s0] =	ssyncadd.tile.s32 @!p0 $0x1;
	_ =	shalt  }
.Lfunc_end2:
_tile_overlayer_lowered:
.L_overlay_start_2:
0x31: {  	(tag) =	ssettag $0x2  }
0x32: {  	s0 =	rddreg [dreg:$0x0];
	s2 =	stileid.u32  }
0x33: {  	s1 =	rddreg [dreg:$0x1];
	p0 =	sne.s32 s2, $0x0  }
0x34: {  	s3 =	rddreg [dreg:$0x2];
	[bflag:$0x3] =	sbarrier.arrive $0xFFFF;
	s2 =	simm.s32 @!p0 $0x1C01  }
0x35: {  	[timem:s3], [sflag:s2] =	dma.local @!p0 [hbm:s0], s1  }
0x36: {  	s0 =	simm.s32 @!p0 $0x1  }
0x37: {  	_ =	swait.ge @!p0 [sflag:s0], s1  }
0x38: {  	s1 =	ssub.s32 @!p0 $0x0, s1;
	[sflag:s0] =	ssyncset.done @!p0 $0x0  }
0x39: {  	[sflag:s0] =	ssyncadd.s32 @!p0 s1  }
0x3a: {  	[bflag:$0x3] =	sbarrier.arrive $0xFFFF  }
0x3b: {  	_ =	shalt  }

</sc_bundles>
